<compile_context>
chip_gen: v7x
topology: tpu7x:2x2x1
jax: 0.10.2.dev20260603
libtpu: 0.0.44.dev20260713+nightly
codegen_flags: <defaults>
</compile_context>

<pallas_src>
import functools

import jax
import jax.numpy as jnp
from jax import lax
from jax.experimental import pallas as pl
from jax.experimental.pallas import tpu as pltpu
from jax.experimental.pallas import tpu_sc as plsc

ITEM_NUM = 1000000
HIDDEN = 64
MAXLEN = 200
BATCH = 4096

SCALE = float(HIDDEN) ** 0.5

NUM_CORES = 2
NUM_SUBCORES = 16
NW = NUM_CORES * NUM_SUBCORES
SEQ_PER_W = BATCH // NW
NB = 4
LA = 2

_mesh = plsc.VectorSubcoreMesh(core_axis_name="c", subcore_axis_name="s")


@functools.partial(
    pl.kernel,
    mesh=_mesh,
    compiler_params=pltpu.CompilerParams(use_tc_tiling_on_sc=False),
    out_type=jax.ShapeDtypeStruct((BATCH, MAXLEN, HIDDEN), jnp.float32),
    scratch_types=(
        [pltpu.VMEM((SEQ_PER_W, MAXLEN), jnp.int32),
         pltpu.VMEM((MAXLEN, HIDDEN), jnp.float32)]
        + [pltpu.VMEM((MAXLEN, HIDDEN), jnp.float32) for _ in range(NB)]
        + [pltpu.SemaphoreType.DMA for _ in range(2 * NB)]
    ),
)
def _embed_kernel(idx_hbm, table_hbm, pos_hbm, out_hbm, idx_v, pos_v,
                  b0, b1, b2, b3, g0, g1, g2, g3, s0, s1, s2, s3):
    bufs = [b0, b1, b2, b3]
    gsem = [g0, g1, g2, g3]
    ssem = [s0, s1, s2, s3]
    wid = lax.axis_index("s") * NUM_CORES + lax.axis_index("c")
    seq_base = wid * SEQ_PER_W
    pltpu.sync_copy(idx_hbm.at[pl.ds(seq_base, SEQ_PER_W)], idx_v)
    pltpu.sync_copy(pos_hbm, pos_v)

    def g_start(c, b):
        pltpu.async_copy(table_hbm.at[idx_v.at[c]], bufs[b], gsem[b])

    def g_wait(c, b):
        pltpu.make_async_copy(table_hbm.at[idx_v.at[c]], bufs[b],
                              gsem[b]).wait()

    def s_start(c, b):
        pltpu.async_copy(bufs[b], out_hbm.at[seq_base + c], ssem[b])

    def s_wait(c, b):
        pltpu.make_async_copy(bufs[b], out_hbm.at[seq_base + c],
                              ssem[b]).wait()

    for c in range(LA):
        g_start(c, c % NB)

    def outer(o, carry):
        for b in range(NB):
            c = o * NB + b
            g_wait(c, b)

            def row(j, carry2):
                for h in range(HIDDEN // 16):
                    sl = pl.ds(h * 16, 16)
                    bufs[b][j, sl] = bufs[b][j, sl] * SCALE + pos_v[j, sl]
                return carry2

            lax.fori_loop(0, MAXLEN, row, 0, unroll=4)
            s_start(c, b)
            b3 = (b + LA + 1) % NB

            @pl.when(c >= 1)
            def _():
                s_wait(c - 1, b3)
            cg = c + LA
            bg = (b + LA) % NB

            @pl.when(cg < SEQ_PER_W)
            def _():
                g_start(cg, bg)
        return carry

    lax.fori_loop(0, SEQ_PER_W // NB, outer, 0)
    c_last = SEQ_PER_W - 1
    s_wait(c_last, c_last % NB)


def kernel(item_seq, item_table, pos_table):
    return _embed_kernel(item_seq, item_table, pos_table)

# --- scband reference (transcript-rebuilt; emitter-appended) ---
"""Pipeline reference for scband-share-model-25451976196412 (READ-ONLY COPY).

The authoritative reference and input builder live on the scoring server;
editing this copy changes nothing except your own understanding.
"""

import jax, jax.numpy as jnp
import numpy as np

ITEM_NUM = 1000000
HIDDEN = 64
MAXLEN = 200
BATCH = 4096


def setup_inputs(seed: int = 0) -> dict:
    key = jax.random.key(seed)
    k1, k2, k3 = jax.random.split(key, 3)
    item_seq = jax.random.randint(k1, (BATCH, MAXLEN), 0, ITEM_NUM, dtype=jnp.int32)
    item_table = jax.random.normal(k2, (ITEM_NUM + 1, HIDDEN), dtype=jnp.float32) * 0.02
    item_table = item_table.at[0].set(0.0)  # padding_idx=0
    pos_table = jax.random.normal(k3, (MAXLEN, HIDDEN), dtype=jnp.float32) * 0.02
    return {"item_seq": item_seq, "item_table": item_table, "pos_table": pos_table}


def reference(item_seq, item_table, pos_table):
    # get_item_emb: embedding lookup scaled by sqrt(embedding_dim)
    d = item_table.shape[1]
    item_embs = jnp.take(item_table, item_seq, axis=0) * (d ** 0.5)
    # get_pos_emb: positions tiled over batch, then positional embedding lookup
    B, L = item_seq.shape
    positions = jnp.tile(jnp.arange(L, dtype=jnp.int32)[None, :], (B, 1))
    pos_embs = jnp.take(pos_table, positions, axis=0)
    # combine and apply dropout (identity in eval mode)
    seqs = item_embs + pos_embs
    return seqs

if __name__ == "__main__":
    import jax
    _d = setup_inputs()
    print(jax.jit(kernel)(*tuple(_d.values())))

</pallas_src>

<mosaic_0001>
#map = affine_map<(d0, d1) -> (0, 0)>
#map1 = affine_map<(d0, d1) -> (0, 0, 0)>
module attributes {stable_mosaic.version = 14 : i64} {
  func.func @_embed_kernel(%arg0: i32, %arg1: i32, %arg2: memref<4096x200xi32, #tpu.memory_space<hbm>>, %arg3: memref<1000001x64xf32, #tpu.memory_space<hbm>>, %arg4: memref<200x64xf32, #tpu.memory_space<hbm>>, %arg5: memref<4096x200x64xf32, #tpu.memory_space<hbm>>, %arg6: memref<128x200xi32, #tpu.memory_space<vmem>>, %arg7: memref<200x64xf32, #tpu.memory_space<vmem>>, %arg8: memref<200x64xf32, #tpu.memory_space<vmem>>, %arg9: memref<200x64xf32, #tpu.memory_space<vmem>>, %arg10: memref<200x64xf32, #tpu.memory_space<vmem>>, %arg11: memref<200x64xf32, #tpu.memory_space<vmem>>, %arg12: memref<!tpu.dma_semaphore, #tpu.memory_space<semaphore_mem>>, %arg13: memref<!tpu.dma_semaphore, #tpu.memory_space<semaphore_mem>>, %arg14: memref<!tpu.dma_semaphore, #tpu.memory_space<semaphore_mem>>, %arg15: memref<!tpu.dma_semaphore, #tpu.memory_space<semaphore_mem>>, %arg16: memref<!tpu.dma_semaphore, #tpu.memory_space<semaphore_mem>>, %arg17: memref<!tpu.dma_semaphore, #tpu.memory_space<semaphore_mem>>, %arg18: memref<!tpu.dma_semaphore, #tpu.memory_space<semaphore_mem>>, %arg19: memref<!tpu.dma_semaphore, #tpu.memory_space<semaphore_mem>>) attributes {dimension_semantics = [#tpu.dimension_semantics<core_parallel>, #tpu.dimension_semantics<subcore_parallel>], iteration_bounds = array<i64: 2, 16>, scalar_prefetch = 0 : i64, scratch_operands = 14 : i64, tpu.core_type = #tpu.core_type<sc_vector_subcore>, window_params = [{transform_indices = #map}, {transform_indices = #map}, {transform_indices = #map}, {transform_indices = #map1}]} {
    %mul3A = arith.constant 2 : i32
    %mul3A_0 = arith.muli %arg1, %mul3A : i32
    %add3A = arith.addi %mul3A_0, %arg0 : i32
    %mul3A_1 = arith.constant 128 : i32
    %mul3A_2 = arith.muli %add3A, %mul3A_1 : i32
    "tpu.region"() ({
      %run_scoped3A = tpu.sem_alloc : memref<!tpu.dma_semaphore, #tpu.memory_space<semaphore_mem>>
      %dma_start3A_30 = arith.constant 0 : i32
      %dma_start3A_31 = tpu.memref_slice %arg2[%mul3A_2, %dma_start3A_30] : memref<4096x200xi32, #tpu.memory_space<hbm>> -> memref<128x200xi32, #tpu.memory_space<hbm>>
      %dma_start3A_32 = arith.constant 0 : i32
      %dma_start3A_33 = tpu.memref_slice %arg2[%mul3A_2, %dma_start3A_32] : memref<4096x200xi32, #tpu.memory_space<hbm>> -> memref<128x200xi32, #tpu.memory_space<hbm>>
      tpu.enqueue_dma source(%dma_start3A_33 : memref<128x200xi32, #tpu.memory_space<hbm>>) target(%arg6 : memref<128x200xi32, #tpu.memory_space<vmem>>) target_semaphore(%run_scoped3A : memref<!tpu.dma_semaphore, #tpu.memory_space<semaphore_mem>>)
      %dma_wait3A_34 = arith.constant 0 : i32
      %dma_wait3A_35 = tpu.memref_slice %arg2[%mul3A_2, %dma_wait3A_34] : memref<4096x200xi32, #tpu.memory_space<hbm>> -> memref<128x200xi32, #tpu.memory_space<hbm>>
      %dma_wait3A_36 = arith.constant 0 : i32
      %dma_wait3A_37 = tpu.memref_slice %arg2[%mul3A_2, %dma_wait3A_36] : memref<4096x200xi32, #tpu.memory_space<hbm>> -> memref<128x200xi32, #tpu.memory_space<hbm>>
      tpu.wait_dma2 semaphore(%run_scoped3A : memref<!tpu.dma_semaphore, #tpu.memory_space<semaphore_mem>>) src(%dma_wait3A_37 : memref<128x200xi32, #tpu.memory_space<hbm>>) dst(%arg6 : memref<128x200xi32, #tpu.memory_space<vmem>>)
      tpu.yield
    }) : () -> ()
    "tpu.region"() ({
      %run_scoped3A = tpu.sem_alloc : memref<!tpu.dma_semaphore, #tpu.memory_space<semaphore_mem>>
      tpu.enqueue_dma source(%arg4 : memref<200x64xf32, #tpu.memory_space<hbm>>) target(%arg7 : memref<200x64xf32, #tpu.memory_space<vmem>>) target_semaphore(%run_scoped3A : memref<!tpu.dma_semaphore, #tpu.memory_space<semaphore_mem>>)
      tpu.wait_dma2 semaphore(%run_scoped3A : memref<!tpu.dma_semaphore, #tpu.memory_space<semaphore_mem>>) src(%arg4 : memref<200x64xf32, #tpu.memory_space<hbm>>) dst(%arg7 : memref<200x64xf32, #tpu.memory_space<vmem>>)
      tpu.yield
    }) : () -> ()
    %dma_start3A = arith.constant 0 : i32
    %dma_start3A_3 = arith.constant 0 : i32
    %dma_start3A_4 = tpu.memref_slice %arg6[%dma_start3A, %dma_start3A_3] : memref<128x200xi32, #tpu.memory_space<vmem>> -> memref<1x200xi32, #tpu.memory_space<vmem>>
    %dma_start3A_5 = tpu.memref_squeeze %dma_start3A_4 : memref<1x200xi32, #tpu.memory_space<vmem>> -> memref<200xi32, #tpu.memory_space<vmem>>
    %dma_start3A_6 = arith.constant 0 : i32
    %dma_start3A_7 = arith.constant 0 : i32
    %dma_start3A_8 = tpu.memref_slice %arg3[%dma_start3A_6, %dma_start3A_7] : memref<1000001x64xf32, #tpu.memory_space<hbm>> -> memref<1000001x64xf32, #tpu.memory_space<hbm>>
    tpu.enqueue_indirect_dma source(%dma_start3A_8 : memref<1000001x64xf32, #tpu.memory_space<hbm>>) target(%arg8 : memref<200x64xf32, #tpu.memory_space<vmem>>) offsets(%dma_start3A_5 : memref<200xi32, #tpu.memory_space<vmem>>) semaphore(%arg12 : memref<!tpu.dma_semaphore, #tpu.memory_space<semaphore_mem>>)
    %dma_start3A_9 = arith.constant 1 : i32
    %dma_start3A_10 = arith.constant 0 : i32
    %dma_start3A_11 = tpu.memref_slice %arg6[%dma_start3A_9, %dma_start3A_10] : memref<128x200xi32, #tpu.memory_space<vmem>> -> memref<1x200xi32, #tpu.memory_space<vmem>>
    %dma_start3A_12 = tpu.memref_squeeze %dma_start3A_11 : memref<1x200xi32, #tpu.memory_space<vmem>> -> memref<200xi32, #tpu.memory_space<vmem>>
    %dma_start3A_13 = arith.constant 0 : i32
    %dma_start3A_14 = arith.constant 0 : i32
    %dma_start3A_15 = tpu.memref_slice %arg3[%dma_start3A_13, %dma_start3A_14] : memref<1000001x64xf32, #tpu.memory_space<hbm>> -> memref<1000001x64xf32, #tpu.memory_space<hbm>>
    tpu.enqueue_indirect_dma source(%dma_start3A_15 : memref<1000001x64xf32, #tpu.memory_space<hbm>>) target(%arg9 : memref<200x64xf32, #tpu.memory_space<vmem>>) offsets(%dma_start3A_12 : memref<200xi32, #tpu.memory_space<vmem>>) semaphore(%arg13 : memref<!tpu.dma_semaphore, #tpu.memory_space<semaphore_mem>>)
    %scan3A = arith.constant 0 : i32
    %scan3A_16 = arith.constant 0 : i32
    %scan3A_17 = arith.constant 32 : i32
    %scan3A_18 = arith.addi %scan3A_16, %scan3A_17 : i32
    %scan3A_19 = arith.constant 1 : i32
    scf.for %scan3A_30 = %scan3A_16 to %scan3A_18 step %scan3A_19  : i32 {
      %mul3A_31 = arith.constant 4 : i32
      %mul3A_32 = arith.muli %scan3A_30, %mul3A_31 : i32
      %add3A_33 = arith.constant 0 : i32
      %add3A_34 = arith.addi %mul3A_32, %add3A_33 : i32
      %dma_wait3A_35 = arith.constant 0 : i32
      %dma_wait3A_36 = tpu.memref_slice %arg6[%add3A_34, %dma_wait3A_35] : memref<128x200xi32, #tpu.memory_space<vmem>> -> memref<1x200xi32, #tpu.memory_space<vmem>>
      %dma_wait3A_37 = tpu.memref_squeeze %dma_wait3A_36 : memref<1x200xi32, #tpu.memory_space<vmem>> -> memref<200xi32, #tpu.memory_space<vmem>>
      %dma_wait3A_38 = arith.constant 0 : i32
      %dma_wait3A_39 = arith.constant 0 : i32
      %dma_wait3A_40 = tpu.memref_slice %arg3[%dma_wait3A_38, %dma_wait3A_39] : memref<1000001x64xf32, #tpu.memory_space<hbm>> -> memref<1000001x64xf32, #tpu.memory_space<hbm>>
      tpu.wait_indirect_dma semaphore(%arg12 : memref<!tpu.dma_semaphore, #tpu.memory_space<semaphore_mem>>) src(%dma_wait3A_40 : memref<1000001x64xf32, #tpu.memory_space<hbm>>) dst(%arg8 : memref<200x64xf32, #tpu.memory_space<vmem>>)
      %scan3A_41 = arith.constant 0 : i32
      %scan3A_42 = arith.constant 0 : i32
      %scan3A_43 = arith.constant 200 : i32
      %scan3A_44 = arith.addi %scan3A_42, %scan3A_43 : i32
      %scan3A_45 = arith.constant 4 : i32
      scf.for %scan3A_175 = %scan3A_42 to %scan3A_44 step %scan3A_45  : i32 {
        %get3A = arith.index_cast %scan3A_175 : i32 to index
        %get3A_176 = arith.constant 0 : index
        %get3A_177 = tpu.vector_load %arg8[%get3A, %get3A_176] {strides = array<i32>} : memref<200x64xf32, #tpu.memory_space<vmem>>, vector<1x16xf32>,
        %get3A_178 = vector.shape_cast %get3A_177 : vector<1x16xf32> to vector<16xf32>
        %mul3A_179 = arith.constant 8.000000e+00 : f32
        %mul3A_180 = vector.broadcast %mul3A_179 : f32 to vector<16xf32>
        %mul3A_181 = arith.mulf %get3A_178, %mul3A_180 : vector<16xf32>
        %get3A_182 = arith.index_cast %scan3A_175 : i32 to index
        %get3A_183 = arith.constant 0 : index
        %get3A_184 = tpu.vector_load %arg7[%get3A_182, %get3A_183] {strides = array<i32>} : memref<200x64xf32, #tpu.memory_space<vmem>>, vector<1x16xf32>,
        %get3A_185 = vector.shape_cast %get3A_184 : vector<1x16xf32> to vector<16xf32>
        %add3A_186 = arith.addf %mul3A_181, %get3A_185 : vector<16xf32>
        %swap3A = arith.index_cast %scan3A_175 : i32 to index
        %swap3A_187 = arith.constant 0 : index
        %swap3A_188 = tpu.vector_load %arg8[%swap3A, %swap3A_187] {strides = array<i32>} : memref<200x64xf32, #tpu.memory_space<vmem>>, vector<1x16xf32>,
        %swap3A_189 = vector.shape_cast %swap3A_188 : vector<1x16xf32> to vector<16xf32>
        %swap3A_190 = vector.shape_cast %add3A_186 : vector<16xf32> to vector<1x16xf32>
        tpu.vector_store %arg8[%swap3A, %swap3A_187], %swap3A_190 {strides = array<i32>} : memref<200x64xf32, #tpu.memory_space<vmem>>, vector<1x16xf32>,
        %get3A_191 = arith.index_cast %scan3A_175 : i32 to index
        %get3A_192 = arith.constant 16 : index
        %get3A_193 = tpu.vector_load %arg8[%get3A_191, %get3A_192] {strides = array<i32>} : memref<200x64xf32, #tpu.memory_space<vmem>>, vector<1x16xf32>,
        %get3A_194 = vector.shape_cast %get3A_193 : vector<1x16xf32> to vector<16xf32>
        %mul3A_195 = arith.constant 8.000000e+00 : f32
        %mul3A_196 = vector.broadcast %mul3A_195 : f32 to vector<16xf32>
        %mul3A_197 = arith.mulf %get3A_194, %mul3A_196 : vector<16xf32>
        %get3A_198 = arith.index_cast %scan3A_175 : i32 to index
        %get3A_199 = arith.constant 16 : index
        %get3A_200 = tpu.vector_load %arg7[%get3A_198, %get3A_199] {strides = array<i32>} : memref<200x64xf32, #tpu.memory_space<vmem>>, vector<1x16xf32>,
        %get3A_201 = vector.shape_cast %get3A_200 : vector<1x16xf32> to vector<16xf32>
        %add3A_202 = arith.addf %mul3A_197, %get3A_201 : vector<16xf32>
        %swap3A_203 = arith.index_cast %scan3A_175 : i32 to index
        %swap3A_204 = arith.constant 16 : index
        %swap3A_205 = tpu.vector_load %arg8[%swap3A_203, %swap3A_204] {strides = array<i32>} : memref<200x64xf32, #tpu.memory_space<vmem>>, vector<1x16xf32>,
        %swap3A_206 = vector.shape_cast %swap3A_205 : vector<1x16xf32> to vector<16xf32>
        %swap3A_207 = vector.shape_cast %add3A_202 : vector<16xf32> to vector<1x16xf32>
        tpu.vector_store %arg8[%swap3A_203, %swap3A_204], %swap3A_207 {strides = array<i32>} : memref<200x64xf32, #tpu.memory_space<vmem>>, vector<1x16xf32>,
        %get3A_208 = arith.index_cast %scan3A_175 : i32 to index
        %get3A_209 = arith.constant 32 : index
        %get3A_210 = tpu.vector_load %arg8[%get3A_208, %get3A_209] {strides = array<i32>} : memref<200x64xf32, #tpu.memory_space<vmem>>, vector<1x16xf32>,
        %get3A_211 = vector.shape_cast %get3A_210 : vector<1x16xf32> to vector<16xf32>
        %mul3A_212 = arith.constant 8.000000e+00 : f32
        %mul3A_213 = vector.broadcast %mul3A_212 : f32 to vector<16xf32>
        %mul3A_214 = arith.mulf %get3A_211, %mul3A_213 : vector<16xf32>
        %get3A_215 = arith.index_cast %scan3A_175 : i32 to index
        %get3A_216 = arith.constant 32 : index
        %get3A_217 = tpu.vector_load %arg7[%get3A_215, %get3A_216] {strides = array<i32>} : memref<200x64xf32, #tpu.memory_space<vmem>>, vector<1x16xf32>,
        %get3A_218 = vector.shape_cast %get3A_217 : vector<1x16xf32> to vector<16xf32>
        %add3A_219 = arith.addf %mul3A_214, %get3A_218 : vector<16xf32>
        %swap3A_220 = arith.index_cast %scan3A_175 : i32 to index
        %swap3A_221 = arith.constant 32 : index
        %swap3A_222 = tpu.vector_load %arg8[%swap3A_220, %swap3A_221] {strides = array<i32>} : memref<200x64xf32, #tpu.memory_space<vmem>>, vector<1x16xf32>,
        %swap3A_223 = vector.shape_cast %swap3A_222 : vector<1x16xf32> to vector<16xf32>
        %swap3A_224 = vector.shape_cast %add3A_219 : vector<16xf32> to vector<1x16xf32>
        tpu.vector_store %arg8[%swap3A_220, %swap3A_221], %swap3A_224 {strides = array<i32>} : memref<200x64xf32, #tpu.memory_space<vmem>>, vector<1x16xf32>,
        %get3A_225 = arith.index_cast %scan3A_175 : i32 to index
        %get3A_226 = arith.constant 48 : index
        %get3A_227 = tpu.vector_load %arg8[%get3A_225, %get3A_226] {strides = array<i32>} : memref<200x64xf32, #tpu.memory_space<vmem>>, vector<1x16xf32>,
        %get3A_228 = vector.shape_cast %get3A_227 : vector<1x16xf32> to vector<16xf32>
        %mul3A_229 = arith.constant 8.000000e+00 : f32
        %mul3A_230 = vector.broadcast %mul3A_229 : f32 to vector<16xf32>
        %mul3A_231 = arith.mulf %get3A_228, %mul3A_230 : vector<16xf32>
        %get3A_232 = arith.index_cast %scan3A_175 : i32 to index
        %get3A_233 = arith.constant 48 : index
        %get3A_234 = tpu.vector_load %arg7[%get3A_232, %get3A_233] {strides = array<i32>} : memref<200x64xf32, #tpu.memory_space<vmem>>, vector<1x16xf32>,
        %get3A_235 = vector.shape_cast %get3A_234 : vector<1x16xf32> to vector<16xf32>
        %add3A_236 = arith.addf %mul3A_231, %get3A_235 : vector<16xf32>
        %swap3A_237 = arith.index_cast %scan3A_175 : i32 to index
        %swap3A_238 = arith.constant 48 : index
        %swap3A_239 = tpu.vector_load %arg8[%swap3A_237, %swap3A_238] {strides = array<i32>} : memref<200x64xf32, #tpu.memory_space<vmem>>, vector<1x16xf32>,
        %swap3A_240 = vector.shape_cast %swap3A_239 : vector<1x16xf32> to vector<16xf32>
        %swap3A_241 = vector.shape_cast %add3A_236 : vector<16xf32> to vector<1x16xf32>
        tpu.vector_store %arg8[%swap3A_237, %swap3A_238], %swap3A_241 {strides = array<i32>} : memref<200x64xf32, #tpu.memory_space<vmem>>, vector<1x16xf32>,
        %scan3A_242 = arith.constant 1 : i32
        %scan3A_243 = arith.addi %scan3A_175, %scan3A_242 : i32
        %get3A_244 = arith.index_cast %scan3A_243 : i32 to index
        %get3A_245 = arith.constant 0 : index
        %get3A_246 = tpu.vector_load %arg8[%get3A_244, %get3A_245] {strides = array<i32>} : memref<200x64xf32, #tpu.memory_space<vmem>>, vector<1x16xf32>,
        %get3A_247 = vector.shape_cast %get3A_246 : vector<1x16xf32> to vector<16xf32>
        %mul3A_248 = arith.constant 8.000000e+00 : f32
        %mul3A_249 = vector.broadcast %mul3A_248 : f32 to vector<16xf32>
        %mul3A_250 = arith.mulf %get3A_247, %mul3A_249 : vector<16xf32>
        %get3A_251 = arith.index_cast %scan3A_243 : i32 to index
        %get3A_252 = arith.constant 0 : index
        %get3A_253 = tpu.vector_load %arg7[%get3A_251, %get3A_252] {strides = array<i32>} : memref<200x64xf32, #tpu.memory_space<vmem>>, vector<1x16xf32>,
        %get3A_254 = vector.shape_cast %get3A_253 : vector<1x16xf32> to vector<16xf32>
        %add3A_255 = arith.addf %mul3A_250, %get3A_254 : vector<16xf32>
        %swap3A_256 = arith.index_cast %scan3A_243 : i32 to index
        %swap3A_257 = arith.constant 0 : index
        %swap3A_258 = tpu.vector_load %arg8[%swap3A_256, %swap3A_257] {strides = array<i32>} : memref<200x64xf32, #tpu.memory_space<vmem>>, vector<1x16xf32>,
        %swap3A_259 = vector.shape_cast %swap3A_258 : vector<1x16xf32> to vector<16xf32>
        %swap3A_260 = vector.shape_cast %add3A_255 : vector<16xf32> to vector<1x16xf32>
        tpu.vector_store %arg8[%swap3A_256, %swap3A_257], %swap3A_260 {strides = array<i32>} : memref<200x64xf32, #tpu.memory_space<vmem>>, vector<1x16xf32>,
        %get3A_261 = arith.index_cast %scan3A_243 : i32 to index
        %get3A_262 = arith.constant 16 : index
        %get3A_263 = tpu.vector_load %arg8[%get3A_261, %get3A_262] {strides = array<i32>} : memref<200x64xf32, #tpu.memory_space<vmem>>, vector<1x16xf32>,
        %get3A_264 = vector.shape_cast %get3A_263 : vector<1x16xf32> to vector<16xf32>
        %mul3A_265 = arith.constant 8.000000e+00 : f32
        %mul3A_266 = vector.broadcast %mul3A_265 : f32 to vector<16xf32>
        %mul3A_267 = arith.mulf %get3A_264, %mul3A_266 : vector<16xf32>
        %get3A_268 = arith.index_cast %scan3A_243 : i32 to index
        %get3A_269 = arith.constant 16 : index
        %get3A_270 = tpu.vector_load %arg7[%get3A_268, %get3A_269] {strides = array<i32>} : memref<200x64xf32, #tpu.memory_space<vmem>>, vector<1x16xf32>,
        %get3A_271 = vector.shape_cast %get3A_270 : vector<1x16xf32> to vector<16xf32>
        %add3A_272 = arith.addf %mul3A_267, %get3A_271 : vector<16xf32>
        %swap3A_273 = arith.index_cast %scan3A_243 : i32 to index
        %swap3A_274 = arith.constant 16 : index
        %swap3A_275 = tpu.vector_load %arg8[%swap3A_273, %swap3A_274] {strides = array<i32>} : memref<200x64xf32, #tpu.memory_space<vmem>>, vector<1x16xf32>,
        %swap3A_276 = vector.shape_cast %swap3A_275 : vector<1x16xf32> to vector<16xf32>
        %swap3A_277 = vector.shape_cast %add3A_272 : vector<16xf32> to vector<1x16xf32>
        tpu.vector_store %arg8[%swap3A_273, %swap3A_274], %swap3A_277 {strides = array<i32>} : memref<200x64xf32, #tpu.memory_space<vmem>>, vector<1x16xf32>,
        %get3A_278 = arith.index_cast %scan3A_243 : i32 to index
        %get3A_279 = arith.constant 32 : index
        %get3A_280 = tpu.vector_load %arg8[%get3A_278, %get3A_279] {strides = array<i32>} : memref<200x64xf32, #tpu.memory_space<vmem>>, vector<1x16xf32>,
        %get3A_281 = vector.shape_cast %get3A_280 : vector<1x16xf32> to vector<16xf32>
        %mul3A_282 = arith.constant 8.000000e+00 : f32
        %mul3A_283 = vector.broadcast %mul3A_282 : f32 to vector<16xf32>
        %mul3A_284 = arith.mulf %get3A_281, %mul3A_283 : vector<16xf32>
        %get3A_285 = arith.index_cast %scan3A_243 : i32 to index
        %get3A_286 = arith.constant 32 : index
        %get3A_287 = tpu.vector_load %arg7[%get3A_285, %get3A_286] {strides = array<i32>} : memref<200x64xf32, #tpu.memory_space<vmem>>, vector<1x16xf32>,
        %get3A_288 = vector.shape_cast %get3A_287 : vector<1x16xf32> to vector<16xf32>
        %add3A_289 = arith.addf %mul3A_284, %get3A_288 : vector<16xf32>
        %swap3A_290 = arith.index_cast %scan3A_243 : i32 to index
        %swap3A_291 = arith.constant 32 : index
        %swap3A_292 = tpu.vector_load %arg8[%swap3A_290, %swap3A_291] {strides = array<i32>} : memref<200x64xf32, #tpu.memory_space<vmem>>, vector<1x16xf32>,
        %swap3A_293 = vector.shape_cast %swap3A_292 : vector<1x16xf32> to vector<16xf32>
        %swap3A_294 = vector.shape_cast %add3A_289 : vector<16xf32> to vector<1x16xf32>
        tpu.vector_store %arg8[%swap3A_290, %swap3A_291], %swap3A_294 {strides = array<i32>} : memref<200x64xf32, #tpu.memory_space<vmem>>, vector<1x16xf32>,
        %get3A_295 = arith.index_cast %scan3A_243 : i32 to index
        %get3A_296 = arith.constant 48 : index
        %get3A_297 = tpu.vector_load %arg8[%get3A_295, %get3A_296] {strides = array<i32>} : memref<200x64xf32, #tpu.memory_space<vmem>>, vector<1x16xf32>,
        %get3A_298 = vector.shape_cast %get3A_297 : vector<1x16xf32> to vector<16xf32>
        %mul3A_299 = arith.constant 8.000000e+00 : f32
        %mul3A_300 = vector.broadcast %mul3A_299 : f32 to vector<16xf32>
        %mul3A_301 = arith.mulf %get3A_298, %mul3A_300 : vector<16xf32>
        %get3A_302 = arith.index_cast %scan3A_243 : i32 to index
        %get3A_303 = arith.constant 48 : index
        %get3A_304 = tpu.vector_load %arg7[%get3A_302, %get3A_303] {strides = array<i32>} : memref<200x64xf32, #tpu.memory_space<vmem>>, vector<1x16xf32>,
        %get3A_305 = vector.shape_cast %get3A_304 : vector<1x16xf32> to vector<16xf32>
        %add3A_306 = arith.addf %mul3A_301, %get3A_305 : vector<16xf32>
        %swap3A_307 = arith.index_cast %scan3A_243 : i32 to index
        %swap3A_308 = arith.constant 48 : index
        %swap3A_309 = tpu.vector_load %arg8[%swap3A_307, %swap3A_308] {strides = array<i32>} : memref<200x64xf32, #tpu.memory_space<vmem>>, vector<1x16xf32>,
        %swap3A_310 = vector.shape_cast %swap3A_309 : vector<1x16xf32> to vector<16xf32>
        %swap3A_311 = vector.shape_cast %add3A_306 : vector<16xf32> to vector<1x16xf32>
        tpu.vector_store %arg8[%swap3A_307, %swap3A_308], %swap3A_311 {strides = array<i32>} : memref<200x64xf32, #tpu.memory_space<vmem>>, vector<1x16xf32>,
        %scan3A_312 = arith.constant 2 : i32
        %scan3A_313 = arith.addi %scan3A_175, %scan3A_312 : i32
        %get3A_314 = arith.index_cast %scan3A_313 : i32 to index
        %get3A_315 = arith.constant 0 : index
        %get3A_316 = tpu.vector_load %arg8[%get3A_314, %get3A_315] {strides = array<i32>} : memref<200x64xf32, #tpu.memory_space<vmem>>, vector<1x16xf32>,
        %get3A_317 = vector.shape_cast %get3A_316 : vector<1x16xf32> to vector<16xf32>
        %mul3A_318 = arith.constant 8.000000e+00 : f32
        %mul3A_319 = vector.broadcast %mul3A_318 : f32 to vector<16xf32>
        %mul3A_320 = arith.mulf %get3A_317, %mul3A_319 : vector<16xf32>
        %get3A_321 = arith.index_cast %scan3A_313 : i32 to index
        %get3A_322 = arith.constant 0 : index
        %get3A_323 = tpu.vector_load %arg7[%get3A_321, %get3A_322] {strides = array<i32>} : memref<200x64xf32, #tpu.memory_space<vmem>>, vector<1x16xf32>,
        %get3A_324 = vector.shape_cast %get3A_323 : vector<1x16xf32> to vector<16xf32>
        %add3A_325 = arith.addf %mul3A_320, %get3A_324 : vector<16xf32>
        %swap3A_326 = arith.index_cast %scan3A_313 : i32 to index
        %swap3A_327 = arith.constant 0 : index
        %swap3A_328 = tpu.vector_load %arg8[%swap3A_326, %swap3A_327] {strides = array<i32>} : memref<200x64xf32, #tpu.memory_space<vmem>>, vector<1x16xf32>,
        %swap3A_329 = vector.shape_cast %swap3A_328 : vector<1x16xf32> to vector<16xf32>
        %swap3A_330 = vector.shape_cast %add3A_325 : vector<16xf32> to vector<1x16xf32>
        tpu.vector_store %arg8[%swap3A_326, %swap3A_327], %swap3A_330 {strides = array<i32>} : memref<200x64xf32, #tpu.memory_space<vmem>>, vector<1x16xf32>,
        %get3A_331 = arith.index_cast %scan3A_313 : i32 to index
        %get3A_332 = arith.constant 16 : index
        %get3A_333 = tpu.vector_load %arg8[%get3A_331, %get3A_332] {strides = array<i32>} : memref<200x64xf32, #tpu.memory_space<vmem>>, vector<1x16xf32>,
        %get3A_334 = vector.shape_cast %get3A_333 : vector<1x16xf32> to vector<16xf32>
        %mul3A_335 = arith.constant 8.000000e+00 : f32
        %mul3A_336 = vector.broadcast %mul3A_335 : f32 to vector<16xf32>
        %mul3A_337 = arith.mulf %get3A_334, %mul3A_336 : vector<16xf32>
        %get3A_338 = arith.index_cast %scan3A_313 : i32 to index
        %get3A_339 = arith.constant 16 : index
        %get3A_340 = tpu.vector_load %arg7[%get3A_338, %get3A_339] {strides = array<i32>} : memref<200x64xf32, #tpu.memory_space<vmem>>, vector<1x16xf32>,
        %get3A_341 = vector.shape_cast %get3A_340 : vector<1x16xf32> to vector<16xf32>
        %add3A_342 = arith.addf %mul3A_337, %get3A_341 : vector<16xf32>
        %swap3A_343 = arith.index_cast %scan3A_313 : i32 to index
        %swap3A_344 = arith.constant 16 : index
        %swap3A_345 = tpu.vector_load %arg8[%swap3A_343, %swap3A_344] {strides = array<i32>} : memref<200x64xf32, #tpu.memory_space<vmem>>, vector<1x16xf32>,
        %swap3A_346 = vector.shape_cast %swap3A_345 : vector<1x16xf32> to vector<16xf32>
        %swap3A_347 = vector.shape_cast %add3A_342 : vector<16xf32> to vector<1x16xf32>
        tpu.vector_store %arg8[%swap3A_343, %swap3A_344], %swap3A_347 {strides = array<i32>} : memref<200x64xf32, #tpu.memory_space<vmem>>, vector<1x16xf32>,
        %get3A_348 = arith.index_cast %scan3A_313 : i32 to index
        %get3A_349 = arith.constant 32 : index
        %get3A_350 = tpu.vector_load %arg8[%get3A_348, %get3A_349] {strides = array<i32>} : memref<200x64xf32, #tpu.memory_space<vmem>>, vector<1x16xf32>,
        %get3A_351 = vector.shape_cast %get3A_350 : vector<1x16xf32> to vector<16xf32>
        %mul3A_352 = arith.constant 8.000000e+00 : f32
        %mul3A_353 = vector.broadcast %mul3A_352 : f32 to vector<16xf32>
        %mul3A_354 = arith.mulf %get3A_351, %mul3A_353 : vector<16xf32>
        %get3A_355 = arith.index_cast %scan3A_313 : i32 to index
        %get3A_356 = arith.constant 32 : index
        %get3A_357 = tpu.vector_load %arg7[%get3A_355, %get3A_356] {strides = array<i32>} : memref<200x64xf32, #tpu.memory_space<vmem>>, vector<1x16xf32>,
        %get3A_358 = vector.shape_cast %get3A_357 : vector<1x16xf32> to vector<16xf32>
        %add3A_359 = arith.addf %mul3A_354, %get3A_358 : vector<16xf32>
        %swap3A_360 = arith.index_cast %scan3A_313 : i32 to index
        %swap3A_361 = arith.constant 32 : index
        %swap3A_362 = tpu.vector_load %arg8[%swap3A_360, %swap3A_361] {strides = array<i32>} : memref<200x64xf32, #tpu.memory_space<vmem>>, vector<1x16xf32>,
        %swap3A_363 = vector.shape_cast %swap3A_362 : vector<1x16xf32> to vector<16xf32>
        %swap3A_364 = vector.shape_cast %add3A_359 : vector<16xf32> to vector<1x16xf32>
        tpu.vector_store %arg8[%swap3A_360, %swap3A_361], %swap3A_364 {strides = array<i32>} : memref<200x64xf32, #tpu.memory_space<vmem>>, vector<1x16xf32>,
        %get3A_365 = arith.index_cast %scan3A_313 : i32 to index
        %get3A_366 = arith.constant 48 : index
        %get3A_367 = tpu.vector_load %arg8[%get3A_365, %get3A_366] {strides = array<i32>} : memref<200x64xf32, #tpu.memory_space<vmem>>, vector<1x16xf32>,
        %get3A_368 = vector.shape_cast %get3A_367 : vector<1x16xf32> to vector<16xf32>
        %mul3A_369 = arith.constant 8.000000e+00 : f32
        %mul3A_370 = vector.broadcast %mul3A_369 : f32 to vector<16xf32>
        %mul3A_371 = arith.mulf %get3A_368, %mul3A_370 : vector<16xf32>
        %get3A_372 = arith.index_cast %scan3A_313 : i32 to index
        %get3A_373 = arith.constant 48 : index
        %get3A_374 = tpu.vector_load %arg7[%get3A_372, %get3A_373] {strides = array<i32>} : memref<200x64xf32, #tpu.memory_space<vmem>>, vector<1x16xf32>,
        %get3A_375 = vector.shape_cast %get3A_374 : vector<1x16xf32> to vector<16xf32>
        %add3A_376 = arith.addf %mul3A_371, %get3A_375 : vector<16xf32>
        %swap3A_377 = arith.index_cast %scan3A_313 : i32 to index
        %swap3A_378 = arith.constant 48 : index
        %swap3A_379 = tpu.vector_load %arg8[%swap3A_377, %swap3A_378] {strides = array<i32>} : memref<200x64xf32, #tpu.memory_space<vmem>>, vector<1x16xf32>,
        %swap3A_380 = vector.shape_cast %swap3A_379 : vector<1x16xf32> to vector<16xf32>
        %swap3A_381 = vector.shape_cast %add3A_376 : vector<16xf32> to vector<1x16xf32>
        tpu.vector_store %arg8[%swap3A_377, %swap3A_378], %swap3A_381 {strides = array<i32>} : memref<200x64xf32, #tpu.memory_space<vmem>>, vector<1x16xf32>,
        %scan3A_382 = arith.constant 3 : i32
        %scan3A_383 = arith.addi %scan3A_175, %scan3A_382 : i32
        %get3A_384 = arith.index_cast %scan3A_383 : i32 to index
        %get3A_385 = arith.constant 0 : index
        %get3A_386 = tpu.vector_load %arg8[%get3A_384, %get3A_385] {strides = array<i32>} : memref<200x64xf32, #tpu.memory_space<vmem>>, vector<1x16xf32>,
        %get3A_387 = vector.shape_cast %get3A_386 : vector<1x16xf32> to vector<16xf32>
        %mul3A_388 = arith.constant 8.000000e+00 : f32
        %mul3A_389 = vector.broadcast %mul3A_388 : f32 to vector<16xf32>
        %mul3A_390 = arith.mulf %get3A_387, %mul3A_389 : vector<16xf32>
        %get3A_391 = arith.index_cast %scan3A_383 : i32 to index
        %get3A_392 = arith.constant 0 : index
        %get3A_393 = tpu.vector_load %arg7[%get3A_391, %get3A_392] {strides = array<i32>} : memref<200x64xf32, #tpu.memory_space<vmem>>, vector<1x16xf32>,
        %get3A_394 = vector.shape_cast %get3A_393 : vector<1x16xf32> to vector<16xf32>
        %add3A_395 = arith.addf %mul3A_390, %get3A_394 : vector<16xf32>
        %swap3A_396 = arith.index_cast %scan3A_383 : i32 to index
        %swap3A_397 = arith.constant 0 : index
        %swap3A_398 = tpu.vector_load %arg8[%swap3A_396, %swap3A_397] {strides = array<i32>} : memref<200x64xf32, #tpu.memory_space<vmem>>, vector<1x16xf32>,
        %swap3A_399 = vector.shape_cast %swap3A_398 : vector<1x16xf32> to vector<16xf32>
        %swap3A_400 = vector.shape_cast %add3A_395 : vector<16xf32> to vector<1x16xf32>
        tpu.vector_store %arg8[%swap3A_396, %swap3A_397], %swap3A_400 {strides = array<i32>} : memref<200x64xf32, #tpu.memory_space<vmem>>, vector<1x16xf32>,
        %get3A_401 = arith.index_cast %scan3A_383 : i32 to index
        %get3A_402 = arith.constant 16 : index
        %get3A_403 = tpu.vector_load %arg8[%get3A_401, %get3A_402] {strides = array<i32>} : memref<200x64xf32, #tpu.memory_space<vmem>>, vector<1x16xf32>,
        %get3A_404 = vector.shape_cast %get3A_403 : vector<1x16xf32> to vector<16xf32>
        %mul3A_405 = arith.constant 8.000000e+00 : f32
        %mul3A_406 = vector.broadcast %mul3A_405 : f32 to vector<16xf32>
        %mul3A_407 = arith.mulf %get3A_404, %mul3A_406 : vector<16xf32>
        %get3A_408 = arith.index_cast %scan3A_383 : i32 to index
        %get3A_409 = arith.constant 16 : index
        %get3A_410 = tpu.vector_load %arg7[%get3A_408, %get3A_409] {strides = array<i32>} : memref<200x64xf32, #tpu.memory_space<vmem>>, vector<1x16xf32>,
        %get3A_411 = vector.shape_cast %get3A_410 : vector<1x16xf32> to vector<16xf32>
        %add3A_412 = arith.addf %mul3A_407, %get3A_411 : vector<16xf32>
        %swap3A_413 = arith.index_cast %scan3A_383 : i32 to index
        %swap3A_414 = arith.constant 16 : index
        %swap3A_415 = tpu.vector_load %arg8[%swap3A_413, %swap3A_414] {strides = array<i32>} : memref<200x64xf32, #tpu.memory_space<vmem>>, vector<1x16xf32>,
        %swap3A_416 = vector.shape_cast %swap3A_415 : vector<1x16xf32> to vector<16xf32>
        %swap3A_417 = vector.shape_cast %add3A_412 : vector<16xf32> to vector<1x16xf32>
        tpu.vector_store %arg8[%swap3A_413, %swap3A_414], %swap3A_417 {strides = array<i32>} : memref<200x64xf32, #tpu.memory_space<vmem>>, vector<1x16xf32>,
        %get3A_418 = arith.index_cast %scan3A_383 : i32 to index
        %get3A_419 = arith.constant 32 : index
        %get3A_420 = tpu.vector_load %arg8[%get3A_418, %get3A_419] {strides = array<i32>} : memref<200x64xf32, #tpu.memory_space<vmem>>, vector<1x16xf32>,
        %get3A_421 = vector.shape_cast %get3A_420 : vector<1x16xf32> to vector<16xf32>
        %mul3A_422 = arith.constant 8.000000e+00 : f32
        %mul3A_423 = vector.broadcast %mul3A_422 : f32 to vector<16xf32>
        %mul3A_424 = arith.mulf %get3A_421, %mul3A_423 : vector<16xf32>
        %get3A_425 = arith.index_cast %scan3A_383 : i32 to index
        %get3A_426 = arith.constant 32 : index
        %get3A_427 = tpu.vector_load %arg7[%get3A_425, %get3A_426] {strides = array<i32>} : memref<200x64xf32, #tpu.memory_space<vmem>>, vector<1x16xf32>,
        %get3A_428 = vector.shape_cast %get3A_427 : vector<1x16xf32> to vector<16xf32>
        %add3A_429 = arith.addf %mul3A_424, %get3A_428 : vector<16xf32>
        %swap3A_430 = arith.index_cast %scan3A_383 : i32 to index
        %swap3A_431 = arith.constant 32 : index
        %swap3A_432 = tpu.vector_load %arg8[%swap3A_430, %swap3A_431] {strides = array<i32>} : memref<200x64xf32, #tpu.memory_space<vmem>>, vector<1x16xf32>,
        %swap3A_433 = vector.shape_cast %swap3A_432 : vector<1x16xf32> to vector<16xf32>
        %swap3A_434 = vector.shape_cast %add3A_429 : vector<16xf32> to vector<1x16xf32>
        tpu.vector_store %arg8[%swap3A_430, %swap3A_431], %swap3A_434 {strides = array<i32>} : memref<200x64xf32, #tpu.memory_space<vmem>>, vector<1x16xf32>,
        %get3A_435 = arith.index_cast %scan3A_383 : i32 to index
        %get3A_436 = arith.constant 48 : index
        %get3A_437 = tpu.vector_load %arg8[%get3A_435, %get3A_436] {strides = array<i32>} : memref<200x64xf32, #tpu.memory_space<vmem>>, vector<1x16xf32>,
        %get3A_438 = vector.shape_cast %get3A_437 : vector<1x16xf32> to vector<16xf32>
        %mul3A_439 = arith.constant 8.000000e+00 : f32
        %mul3A_440 = vector.broadcast %mul3A_439 : f32 to vector<16xf32>
        %mul3A_441 = arith.mulf %get3A_438, %mul3A_440 : vector<16xf32>
        %get3A_442 = arith.index_cast %scan3A_383 : i32 to index
        %get3A_443 = arith.constant 48 : index
        %get3A_444 = tpu.vector_load %arg7[%get3A_442, %get3A_443] {strides = array<i32>} : memref<200x64xf32, #tpu.memory_space<vmem>>, vector<1x16xf32>,
        %get3A_445 = vector.shape_cast %get3A_444 : vector<1x16xf32> to vector<16xf32>
        %add3A_446 = arith.addf %mul3A_441, %get3A_445 : vector<16xf32>
        %swap3A_447 = arith.index_cast %scan3A_383 : i32 to index
        %swap3A_448 = arith.constant 48 : index
        %swap3A_449 = tpu.vector_load %arg8[%swap3A_447, %swap3A_448] {strides = array<i32>} : memref<200x64xf32, #tpu.memory_space<vmem>>, vector<1x16xf32>,
        %swap3A_450 = vector.shape_cast %swap3A_449 : vector<1x16xf32> to vector<16xf32>
        %swap3A_451 = vector.shape_cast %add3A_446 : vector<16xf32> to vector<1x16xf32>
        tpu.vector_store %arg8[%swap3A_447, %swap3A_448], %swap3A_451 {strides = array<i32>} : memref<200x64xf32, #tpu.memory_space<vmem>>, vector<1x16xf32>,
      }
      %scan3A_46 = arith.constant 200 : i32
      %add3A_47 = arith.addi %mul3A_2, %add3A_34 : i32
      %dma_start3A_48 = arith.constant 0 : i32
      %dma_start3A_49 = arith.constant 0 : i32
      %dma_start3A_50 = tpu.memref_slice %arg5[%add3A_47, %dma_start3A_48, %dma_start3A_49] : memref<4096x200x64xf32, #tpu.memory_space<hbm>> -> memref<1x200x64xf32, #tpu.memory_space<hbm>>
      %dma_start3A_51 = tpu.memref_squeeze %dma_start3A_50 : memref<1x200x64xf32, #tpu.memory_space<hbm>> -> memref<200x64xf32, #tpu.memory_space<hbm>>
      %dma_start3A_52 = arith.constant 0 : i32
      %dma_start3A_53 = arith.constant 0 : i32
      %dma_start3A_54 = tpu.memref_slice %arg5[%add3A_47, %dma_start3A_52, %dma_start3A_53] : memref<4096x200x64xf32, #tpu.memory_space<hbm>> -> memref<1x200x64xf32, #tpu.memory_space<hbm>>
      %dma_start3A_55 = tpu.memref_squeeze %dma_start3A_54 : memref<1x200x64xf32, #tpu.memory_space<hbm>> -> memref<200x64xf32, #tpu.memory_space<hbm>>
      tpu.enqueue_dma source(%arg8 : memref<200x64xf32, #tpu.memory_space<vmem>>) target(%dma_start3A_55 : memref<200x64xf32, #tpu.memory_space<hbm>>) target_semaphore(%arg16 : memref<!tpu.dma_semaphore, #tpu.memory_space<semaphore_mem>>)
      %ge3A = arith.constant 1 : i32
      %ge3A_56 = arith.cmpi sge, %add3A_34, %ge3A : i32
      %convert_element_type3A = arith.extui %ge3A_56 : i1 to i32
      %cond3A = arith.constant 0 : i32
      %cond3A_57 = arith.cmpi ne, %convert_element_type3A, %cond3A : i32
      scf.if %cond3A_57 {
        %sub3A = arith.constant 1 : i32
        %sub3A_175 = arith.subi %add3A_34, %sub3A : i32
        %add3A_176 = arith.addi %mul3A_2, %sub3A_175 : i32
        %dma_wait3A_177 = arith.constant 0 : i32
        %dma_wait3A_178 = arith.constant 0 : i32
        %dma_wait3A_179 = tpu.memref_slice %arg5[%add3A_176, %dma_wait3A_177, %dma_wait3A_178] : memref<4096x200x64xf32, #tpu.memory_space<hbm>> -> memref<1x200x64xf32, #tpu.memory_space<hbm>>
        %dma_wait3A_180 = tpu.memref_squeeze %dma_wait3A_179 : memref<1x200x64xf32, #tpu.memory_space<hbm>> -> memref<200x64xf32, #tpu.memory_space<hbm>>
        %dma_wait3A_181 = arith.constant 0 : i32
        %dma_wait3A_182 = arith.constant 0 : i32
        %dma_wait3A_183 = tpu.memref_slice %arg5[%add3A_176, %dma_wait3A_181, %dma_wait3A_182] : memref<4096x200x64xf32, #tpu.memory_space<hbm>> -> memref<1x200x64xf32, #tpu.memory_space<hbm>>
        %dma_wait3A_184 = tpu.memref_squeeze %dma_wait3A_183 : memref<1x200x64xf32, #tpu.memory_space<hbm>> -> memref<200x64xf32, #tpu.memory_space<hbm>>
        tpu.wait_dma2 semaphore(%arg19 : memref<!tpu.dma_semaphore, #tpu.memory_space<semaphore_mem>>) src(%arg11 : memref<200x64xf32, #tpu.memory_space<vmem>>) dst(%dma_wait3A_184 : memref<200x64xf32, #tpu.memory_space<hbm>>)
      } else {
      }
      %add3A_58 = arith.constant 2 : i32
      %add3A_59 = arith.addi %add3A_34, %add3A_58 : i32
      %lt3A = arith.constant 128 : i32
      %lt3A_60 = arith.cmpi slt, %add3A_59, %lt3A : i32
      %convert_element_type3A_61 = arith.extui %lt3A_60 : i1 to i32
      %cond3A_62 = arith.constant 0 : i32
      %cond3A_63 = arith.cmpi ne, %convert_element_type3A_61, %cond3A_62 : i32
      scf.if %cond3A_63 {
        %dma_start3A_175 = arith.constant 0 : i32
        %dma_start3A_176 = tpu.memref_slice %arg6[%add3A_59, %dma_start3A_175] : memref<128x200xi32, #tpu.memory_space<vmem>> -> memref<1x200xi32, #tpu.memory_space<vmem>>
        %dma_start3A_177 = tpu.memref_squeeze %dma_start3A_176 : memref<1x200xi32, #tpu.memory_space<vmem>> -> memref<200xi32, #tpu.memory_space<vmem>>
        %dma_start3A_178 = arith.constant 0 : i32
        %dma_start3A_179 = arith.constant 0 : i32
        %dma_start3A_180 = tpu.memref_slice %arg3[%dma_start3A_178, %dma_start3A_179] : memref<1000001x64xf32, #tpu.memory_space<hbm>> -> memref<1000001x64xf32, #tpu.memory_space<hbm>>
        tpu.enqueue_indirect_dma source(%dma_start3A_180 : memref<1000001x64xf32, #tpu.memory_space<hbm>>) target(%arg10 : memref<200x64xf32, #tpu.memory_space<vmem>>) offsets(%dma_start3A_177 : memref<200xi32, #tpu.memory_space<vmem>>) semaphore(%arg14 : memref<!tpu.dma_semaphore, #tpu.memory_space<semaphore_mem>>)
      } else {
      }
      %mul3A_64 = arith.constant 4 : i32
      %mul3A_65 = arith.muli %scan3A_30, %mul3A_64 : i32
      %add3A_66 = arith.constant 1 : i32
      %add3A_67 = arith.addi %mul3A_65, %add3A_66 : i32
      %dma_wait3A_68 = arith.constant 0 : i32
      %dma_wait3A_69 = tpu.memref_slice %arg6[%add3A_67, %dma_wait3A_68] : memref<128x200xi32, #tpu.memory_space<vmem>> -> memref<1x200xi32, #tpu.memory_space<vmem>>
      %dma_wait3A_70 = tpu.memref_squeeze %dma_wait3A_69 : memref<1x200xi32, #tpu.memory_space<vmem>> -> memref<200xi32, #tpu.memory_space<vmem>>
      %dma_wait3A_71 = arith.constant 0 : i32
      %dma_wait3A_72 = arith.constant 0 : i32
      %dma_wait3A_73 = tpu.memref_slice %arg3[%dma_wait3A_71, %dma_wait3A_72] : memref<1000001x64xf32, #tpu.memory_space<hbm>> -> memref<1000001x64xf32, #tpu.memory_space<hbm>>
      tpu.wait_indirect_dma semaphore(%arg13 : memref<!tpu.dma_semaphore, #tpu.memory_space<semaphore_mem>>) src(%dma_wait3A_73 : memref<1000001x64xf32, #tpu.memory_space<hbm>>) dst(%arg9 : memref<200x64xf32, #tpu.memory_space<vmem>>)
      %scan3A_74 = arith.constant 0 : i32
      %scan3A_75 = arith.constant 0 : i32
      %scan3A_76 = arith.constant 200 : i32
      %scan3A_77 = arith.addi %scan3A_75, %scan3A_76 : i32
      %scan3A_78 = arith.constant 4 : i32
      scf.for %scan3A_175 = %scan3A_75 to %scan3A_77 step %scan3A_78  : i32 {
        %get3A = arith.index_cast %scan3A_175 : i32 to index
        %get3A_176 = arith.constant 0 : index
        %get3A_177 = tpu.vector_load %arg9[%get3A, %get3A_176] {strides = array<i32>} : memref<200x64xf32, #tpu.memory_space<vmem>>, vector<1x16xf32>,
        %get3A_178 = vector.shape_cast %get3A_177 : vector<1x16xf32> to vector<16xf32>
        %mul3A_179 = arith.constant 8.000000e+00 : f32
        %mul3A_180 = vector.broadcast %mul3A_179 : f32 to vector<16xf32>
        %mul3A_181 = arith.mulf %get3A_178, %mul3A_180 : vector<16xf32>
        %get3A_182 = arith.index_cast %scan3A_175 : i32 to index
        %get3A_183 = arith.constant 0 : index
        %get3A_184 = tpu.vector_load %arg7[%get3A_182, %get3A_183] {strides = array<i32>} : memref<200x64xf32, #tpu.memory_space<vmem>>, vector<1x16xf32>,
        %get3A_185 = vector.shape_cast %get3A_184 : vector<1x16xf32> to vector<16xf32>
        %add3A_186 = arith.addf %mul3A_181, %get3A_185 : vector<16xf32>
        %swap3A = arith.index_cast %scan3A_175 : i32 to index
        %swap3A_187 = arith.constant 0 : index
        %swap3A_188 = tpu.vector_load %arg9[%swap3A, %swap3A_187] {strides = array<i32>} : memref<200x64xf32, #tpu.memory_space<vmem>>, vector<1x16xf32>,
        %swap3A_189 = vector.shape_cast %swap3A_188 : vector<1x16xf32> to vector<16xf32>
        %swap3A_190 = vector.shape_cast %add3A_186 : vector<16xf32> to vector<1x16xf32>
        tpu.vector_store %arg9[%swap3A, %swap3A_187], %swap3A_190 {strides = array<i32>} : memref<200x64xf32, #tpu.memory_space<vmem>>, vector<1x16xf32>,
        %get3A_191 = arith.index_cast %scan3A_175 : i32 to index
        %get3A_192 = arith.constant 16 : index
        %get3A_193 = tpu.vector_load %arg9[%get3A_191, %get3A_192] {strides = array<i32>} : memref<200x64xf32, #tpu.memory_space<vmem>>, vector<1x16xf32>,
        %get3A_194 = vector.shape_cast %get3A_193 : vector<1x16xf32> to vector<16xf32>
        %mul3A_195 = arith.constant 8.000000e+00 : f32
        %mul3A_196 = vector.broadcast %mul3A_195 : f32 to vector<16xf32>
        %mul3A_197 = arith.mulf %get3A_194, %mul3A_196 : vector<16xf32>
        %get3A_198 = arith.index_cast %scan3A_175 : i32 to index
        %get3A_199 = arith.constant 16 : index
        %get3A_200 = tpu.vector_load %arg7[%get3A_198, %get3A_199] {strides = array<i32>} : memref<200x64xf32, #tpu.memory_space<vmem>>, vector<1x16xf32>,
        %get3A_201 = vector.shape_cast %get3A_200 : vector<1x16xf32> to vector<16xf32>
        %add3A_202 = arith.addf %mul3A_197, %get3A_201 : vector<16xf32>
        %swap3A_203 = arith.index_cast %scan3A_175 : i32 to index
        %swap3A_204 = arith.constant 16 : index
        %swap3A_205 = tpu.vector_load %arg9[%swap3A_203, %swap3A_204] {strides = array<i32>} : memref<200x64xf32, #tpu.memory_space<vmem>>, vector<1x16xf32>,
        %swap3A_206 = vector.shape_cast %swap3A_205 : vector<1x16xf32> to vector<16xf32>
        %swap3A_207 = vector.shape_cast %add3A_202 : vector<16xf32> to vector<1x16xf32>
        tpu.vector_store %arg9[%swap3A_203, %swap3A_204], %swap3A_207 {strides = array<i32>} : memref<200x64xf32, #tpu.memory_space<vmem>>, vector<1x16xf32>,
        %get3A_208 = arith.index_cast %scan3A_175 : i32 to index
        %get3A_209 = arith.constant 32 : index
        %get3A_210 = tpu.vector_load %arg9[%get3A_208, %get3A_209] {strides = array<i32>} : memref<200x64xf32, #tpu.memory_space<vmem>>, vector<1x16xf32>,
        %get3A_211 = vector.shape_cast %get3A_210 : vector<1x16xf32> to vector<16xf32>
        %mul3A_212 = arith.constant 8.000000e+00 : f32
        %mul3A_213 = vector.broadcast %mul3A_212 : f32 to vector<16xf32>
        %mul3A_214 = arith.mulf %get3A_211, %mul3A_213 : vector<16xf32>
        %get3A_215 = arith.index_cast %scan3A_175 : i32 to index
        %get3A_216 = arith.constant 32 : index
        %get3A_217 = tpu.vector_load %arg7[%get3A_215, %get3A_216] {strides = array<i32>} : memref<200x64xf32, #tpu.memory_space<vmem>>, vector<1x16xf32>,
        %get3A_218 = vector.shape_cast %get3A_217 : vector<1x16xf32> to vector<16xf32>
        %add3A_219 = arith.addf %mul3A_214, %get3A_218 : vector<16xf32>
        %swap3A_220 = arith.index_cast %scan3A_175 : i32 to index
        %swap3A_221 = arith.constant 32 : index
        %swap3A_222 = tpu.vector_load %arg9[%swap3A_220, %swap3A_221] {strides = array<i32>} : memref<200x64xf32, #tpu.memory_space<vmem>>, vector<1x16xf32>,
        %swap3A_223 = vector.shape_cast %swap3A_222 : vector<1x16xf32> to vector<16xf32>
        %swap3A_224 = vector.shape_cast %add3A_219 : vector<16xf32> to vector<1x16xf32>
        tpu.vector_store %arg9[%swap3A_220, %swap3A_221], %swap3A_224 {strides = array<i32>} : memref<200x64xf32, #tpu.memory_space<vmem>>, vector<1x16xf32>,
        %get3A_225 = arith.index_cast %scan3A_175 : i32 to index
        %get3A_226 = arith.constant 48 : index
        %get3A_227 = tpu.vector_load %arg9[%get3A_225, %get3A_226] {strides = array<i32>} : memref<200x64xf32, #tpu.memory_space<vmem>>, vector<1x16xf32>,
        %get3A_228 = vector.shape_cast %get3A_227 : vector<1x16xf32> to vector<16xf32>
        %mul3A_229 = arith.constant 8.000000e+00 : f32
        %mul3A_230 = vector.broadcast %mul3A_229 : f32 to vector<16xf32>
        %mul3A_231 = arith.mulf %get3A_228, %mul3A_230 : vector<16xf32>
        %get3A_232 = arith.index_cast %scan3A_175 : i32 to index
        %get3A_233 = arith.constant 48 : index
        %get3A_234 = tpu.vector_load %arg7[%get3A_232, %get3A_233] {strides = array<i32>} : memref<200x64xf32, #tpu.memory_space<vmem>>, vector<1x16xf32>,
        %get3A_235 = vector.shape_cast %get3A_234 : vector<1x16xf32> to vector<16xf32>
        %add3A_236 = arith.addf %mul3A_231, %get3A_235 : vector<16xf32>
        %swap3A_237 = arith.index_cast %scan3A_175 : i32 to index
        %swap3A_238 = arith.constant 48 : index
        %swap3A_239 = tpu.vector_load %arg9[%swap3A_237, %swap3A_238] {strides = array<i32>} : memref<200x64xf32, #tpu.memory_space<vmem>>, vector<1x16xf32>,
        %swap3A_240 = vector.shape_cast %swap3A_239 : vector<1x16xf32> to vector<16xf32>
        %swap3A_241 = vector.shape_cast %add3A_236 : vector<16xf32> to vector<1x16xf32>
        tpu.vector_store %arg9[%swap3A_237, %swap3A_238], %swap3A_241 {strides = array<i32>} : memref<200x64xf32, #tpu.memory_space<vmem>>, vector<1x16xf32>,
        %scan3A_242 = arith.constant 1 : i32
        %scan3A_243 = arith.addi %scan3A_175, %scan3A_242 : i32
        %get3A_244 = arith.index_cast %scan3A_243 : i32 to index
        %get3A_245 = arith.constant 0 : index
        %get3A_246 = tpu.vector_load %arg9[%get3A_244, %get3A_245] {strides = array<i32>} : memref<200x64xf32, #tpu.memory_space<vmem>>, vector<1x16xf32>,
        %get3A_247 = vector.shape_cast %get3A_246 : vector<1x16xf32> to vector<16xf32>
        %mul3A_248 = arith.constant 8.000000e+00 : f32
        %mul3A_249 = vector.broadcast %mul3A_248 : f32 to vector<16xf32>
        %mul3A_250 = arith.mulf %get3A_247, %mul3A_249 : vector<16xf32>
        %get3A_251 = arith.index_cast %scan3A_243 : i32 to index
        %get3A_252 = arith.constant 0 : index
        %get3A_253 = tpu.vector_load %arg7[%get3A_251, %get3A_252] {strides = array<i32>} : memref<200x64xf32, #tpu.memory_space<vmem>>, vector<1x16xf32>,
        %get3A_254 = vector.shape_cast %get3A_253 : vector<1x16xf32> to vector<16xf32>
        %add3A_255 = arith.addf %mul3A_250, %get3A_254 : vector<16xf32>
        %swap3A_256 = arith.index_cast %scan3A_243 : i32 to index
        %swap3A_257 = arith.constant 0 : index
        %swap3A_258 = tpu.vector_load %arg9[%swap3A_256, %swap3A_257] {strides = array<i32>} : memref<200x64xf32, #tpu.memory_space<vmem>>, vector<1x16xf32>,
        %swap3A_259 = vector.shape_cast %swap3A_258 : vector<1x16xf32> to vector<16xf32>
        %swap3A_260 = vector.shape_cast %add3A_255 : vector<16xf32> to vector<1x16xf32>
        tpu.vector_store %arg9[%swap3A_256, %swap3A_257], %swap3A_260 {strides = array<i32>} : memref<200x64xf32, #tpu.memory_space<vmem>>, vector<1x16xf32>,
        %get3A_261 = arith.index_cast %scan3A_243 : i32 to index
        %get3A_262 = arith.constant 16 : index
        %get3A_263 = tpu.vector_load %arg9[%get3A_261, %get3A_262] {strides = array<i32>} : memref<200x64xf32, #tpu.memory_space<vmem>>, vector<1x16xf32>,
        %get3A_264 = vector.shape_cast %get3A_263 : vector<1x16xf32> to vector<16xf32>
        %mul3A_265 = arith.constant 8.000000e+00 : f32
        %mul3A_266 = vector.broadcast %mul3A_265 : f32 to vector<16xf32>
        %mul3A_267 = arith.mulf %get3A_264, %mul3A_266 : vector<16xf32>
        %get3A_268 = arith.index_cast %scan3A_243 : i32 to index
        %get3A_269 = arith.constant 16 : index
        %get3A_270 = tpu.vector_load %arg7[%get3A_268, %get3A_269] {strides = array<i32>} : memref<200x64xf32, #tpu.memory_space<vmem>>, vector<1x16xf32>,
        %get3A_271 = vector.shape_cast %get3A_270 : vector<1x16xf32> to vector<16xf32>
        %add3A_272 = arith.addf %mul3A_267, %get3A_271 : vector<16xf32>
        %swap3A_273 = arith.index_cast %scan3A_243 : i32 to index
        %swap3A_274 = arith.constant 16 : index
        %swap3A_275 = tpu.vector_load %arg9[%swap3A_273, %swap3A_274] {strides = array<i32>} : memref<200x64xf32, #tpu.memory_space<vmem>>, vector<1x16xf32>,
        %swap3A_276 = vector.shape_cast %swap3A_275 : vector<1x16xf32> to vector<16xf32>
        %swap3A_277 = vector.shape_cast %add3A_272 : vector<16xf32> to vector<1x16xf32>
        tpu.vector_store %arg9[%swap3A_273, %swap3A_274], %swap3A_277 {strides = array<i32>} : memref<200x64xf32, #tpu.memory_space<vmem>>, vector<1x16xf32>,
        %get3A_278 = arith.index_cast %scan3A_243 : i32 to index
        %get3A_279 = arith.constant 32 : index
        %get3A_280 = tpu.vector_load %arg9[%get3A_278, %get3A_279] {strides = array<i32>} : memref<200x64xf32, #tpu.memory_space<vmem>>, vector<1x16xf32>,
        %get3A_281 = vector.shape_cast %get3A_280 : vector<1x16xf32> to vector<16xf32>
        %mul3A_282 = arith.constant 8.000000e+00 : f32
        %mul3A_283 = vector.broadcast %mul3A_282 : f32 to vector<16xf32>
        %mul3A_284 = arith.mulf %get3A_281, %mul3A_283 : vector<16xf32>
        %get3A_285 = arith.index_cast %scan3A_243 : i32 to index
        %get3A_286 = arith.constant 32 : index
        %get3A_287 = tpu.vector_load %arg7[%get3A_285, %get3A_286] {strides = array<i32>} : memref<200x64xf32, #tpu.memory_space<vmem>>, vector<1x16xf32>,
        %get3A_288 = vector.shape_cast %get3A_287 : vector<1x16xf32> to vector<16xf32>
        %add3A_289 = arith.addf %mul3A_284, %get3A_288 : vector<16xf32>
        %swap3A_290 = arith.index_cast %scan3A_243 : i32 to index
        %swap3A_291 = arith.constant 32 : index
        %swap3A_292 = tpu.vector_load %arg9[%swap3A_290, %swap3A_291] {strides = array<i32>} : memref<200x64xf32, #tpu.memory_space<vmem>>, vector<1x16xf32>,
        %swap3A_293 = vector.shape_cast %swap3A_292 : vector<1x16xf32> to vector<16xf32>
        %swap3A_294 = vector.shape_cast %add3A_289 : vector<16xf32> to vector<1x16xf32>
        tpu.vector_store %arg9[%swap3A_290, %swap3A_291], %swap3A_294 {strides = array<i32>} : memref<200x64xf32, #tpu.memory_space<vmem>>, vector<1x16xf32>,
        %get3A_295 = arith.index_cast %scan3A_243 : i32 to index
        %get3A_296 = arith.constant 48 : index
        %get3A_297 = tpu.vector_load %arg9[%get3A_295, %get3A_296] {strides = array<i32>} : memref<200x64xf32, #tpu.memory_space<vmem>>, vector<1x16xf32>,
        %get3A_298 = vector.shape_cast %get3A_297 : vector<1x16xf32> to vector<16xf32>
        %mul3A_299 = arith.constant 8.000000e+00 : f32
        %mul3A_300 = vector.broadcast %mul3A_299 : f32 to vector<16xf32>
        %mul3A_301 = arith.mulf %get3A_298, %mul3A_300 : vector<16xf32>
        %get3A_302 = arith.index_cast %scan3A_243 : i32 to index
        %get3A_303 = arith.constant 48 : index
        %get3A_304 = tpu.vector_load %arg7[%get3A_302, %get3A_303] {strides = array<i32>} : memref<200x64xf32, #tpu.memory_space<vmem>>, vector<1x16xf32>,
        %get3A_305 = vector.shape_cast %get3A_304 : vector<1x16xf32> to vector<16xf32>
        %add3A_306 = arith.addf %mul3A_301, %get3A_305 : vector<16xf32>
        %swap3A_307 = arith.index_cast %scan3A_243 : i32 to index
        %swap3A_308 = arith.constant 48 : index
        %swap3A_309 = tpu.vector_load %arg9[%swap3A_307, %swap3A_308] {strides = array<i32>} : memref<200x64xf32, #tpu.memory_space<vmem>>, vector<1x16xf32>,
        %swap3A_310 = vector.shape_cast %swap3A_309 : vector<1x16xf32> to vector<16xf32>
        %swap3A_311 = vector.shape_cast %add3A_306 : vector<16xf32> to vector<1x16xf32>
        tpu.vector_store %arg9[%swap3A_307, %swap3A_308], %swap3A_311 {strides = array<i32>} : memref<200x64xf32, #tpu.memory_space<vmem>>, vector<1x16xf32>,
        %scan3A_312 = arith.constant 2 : i32
        %scan3A_313 = arith.addi %scan3A_175, %scan3A_312 : i32
        %get3A_314 = arith.index_cast %scan3A_313 : i32 to index
        %get3A_315 = arith.constant 0 : index
        %get3A_316 = tpu.vector_load %arg9[%get3A_314, %get3A_315] {strides = array<i32>} : memref<200x64xf32, #tpu.memory_space<vmem>>, vector<1x16xf32>,
        %get3A_317 = vector.shape_cast %get3A_316 : vector<1x16xf32> to vector<16xf32>
        %mul3A_318 = arith.constant 8.000000e+00 : f32
        %mul3A_319 = vector.broadcast %mul3A_318 : f32 to vector<16xf32>
        %mul3A_320 = arith.mulf %get3A_317, %mul3A_319 : vector<16xf32>
        %get3A_321 = arith.index_cast %scan3A_313 : i32 to index
        %get3A_322 = arith.constant 0 : index
        %get3A_323 = tpu.vector_load %arg7[%get3A_321, %get3A_322] {strides = array<i32>} : memref<200x64xf32, #tpu.memory_space<vmem>>, vector<1x16xf32>,
        %get3A_324 = vector.shape_cast %get3A_323 : vector<1x16xf32> to vector<16xf32>
        %add3A_325 = arith.addf %mul3A_320, %get3A_324 : vector<16xf32>
        %swap3A_326 = arith.index_cast %scan3A_313 : i32 to index
        %swap3A_327 = arith.constant 0 : index
        %swap3A_328 = tpu.vector_load %arg9[%swap3A_326, %swap3A_327] {strides = array<i32>} : memref<200x64xf32, #tpu.memory_space<vmem>>, vector<1x16xf32>,
        %swap3A_329 = vector.shape_cast %swap3A_328 : vector<1x16xf32> to vector<16xf32>
        %swap3A_330 = vector.shape_cast %add3A_325 : vector<16xf32> to vector<1x16xf32>
        tpu.vector_store %arg9[%swap3A_326, %swap3A_327], %swap3A_330 {strides = array<i32>} : memref<200x64xf32, #tpu.memory_space<vmem>>, vector<1x16xf32>,
        %get3A_331 = arith.index_cast %scan3A_313 : i32 to index
        %get3A_332 = arith.constant 16 : index
        %get3A_333 = tpu.vector_load %arg9[%get3A_331, %get3A_332] {strides = array<i32>} : memref<200x64xf32, #tpu.memory_space<vmem>>, vector<1x16xf32>,
        %get3A_334 = vector.shape_cast %get3A_333 : vector<1x16xf32> to vector<16xf32>
        %mul3A_335 = arith.constant 8.000000e+00 : f32
        %mul3A_336 = vector.broadcast %mul3A_335 : f32 to vector<16xf32>
        %mul3A_337 = arith.mulf %get3A_334, %mul3A_336 : vector<16xf32>
        %get3A_338 = arith.index_cast %scan3A_313 : i32 to index
        %get3A_339 = arith.constant 16 : index
        %get3A_340 = tpu.vector_load %arg7[%get3A_338, %get3A_339] {strides = array<i32>} : memref<200x64xf32, #tpu.memory_space<vmem>>, vector<1x16xf32>,
        %get3A_341 = vector.shape_cast %get3A_340 : vector<1x16xf32> to vector<16xf32>
        %add3A_342 = arith.addf %mul3A_337, %get3A_341 : vector<16xf32>
        %swap3A_343 = arith.index_cast %scan3A_313 : i32 to index
        %swap3A_344 = arith.constant 16 : index
        %swap3A_345 = tpu.vector_load %arg9[%swap3A_343, %swap3A_344] {strides = array<i32>} : memref<200x64xf32, #tpu.memory_space<vmem>>, vector<1x16xf32>,
        %swap3A_346 = vector.shape_cast %swap3A_345 : vector<1x16xf32> to vector<16xf32>
        %swap3A_347 = vector.shape_cast %add3A_342 : vector<16xf32> to vector<1x16xf32>
        tpu.vector_store %arg9[%swap3A_343, %swap3A_344], %swap3A_347 {strides = array<i32>} : memref<200x64xf32, #tpu.memory_space<vmem>>, vector<1x16xf32>,
        %get3A_348 = arith.index_cast %scan3A_313 : i32 to index
        %get3A_349 = arith.constant 32 : index
        %get3A_350 = tpu.vector_load %arg9[%get3A_348, %get3A_349] {strides = array<i32>} : memref<200x64xf32, #tpu.memory_space<vmem>>, vector<1x16xf32>,
        %get3A_351 = vector.shape_cast %get3A_350 : vector<1x16xf32> to vector<16xf32>
        %mul3A_352 = arith.constant 8.000000e+00 : f32
        %mul3A_353 = vector.broadcast %mul3A_352 : f32 to vector<16xf32>
        %mul3A_354 = arith.mulf %get3A_351, %mul3A_353 : vector<16xf32>
        %get3A_355 = arith.index_cast %scan3A_313 : i32 to index
        %get3A_356 = arith.constant 32 : index
        %get3A_357 = tpu.vector_load %arg7[%get3A_355, %get3A_356] {strides = array<i32>} : memref<200x64xf32, #tpu.memory_space<vmem>>, vector<1x16xf32>,
        %get3A_358 = vector.shape_cast %get3A_357 : vector<1x16xf32> to vector<16xf32>
        %add3A_359 = arith.addf %mul3A_354, %get3A_358 : vector<16xf32>
        %swap3A_360 = arith.index_cast %scan3A_313 : i32 to index
        %swap3A_361 = arith.constant 32 : index
        %swap3A_362 = tpu.vector_load %arg9[%swap3A_360, %swap3A_361] {strides = array<i32>} : memref<200x64xf32, #tpu.memory_space<vmem>>, vector<1x16xf32>,
        %swap3A_363 = vector.shape_cast %swap3A_362 : vector<1x16xf32> to vector<16xf32>
        %swap3A_364 = vector.shape_cast %add3A_359 : vector<16xf32> to vector<1x16xf32>
        tpu.vector_store %arg9[%swap3A_360, %swap3A_361], %swap3A_364 {strides = array<i32>} : memref<200x64xf32, #tpu.memory_space<vmem>>, vector<1x16xf32>,
        %get3A_365 = arith.index_cast %scan3A_313 : i32 to index
        %get3A_366 = arith.constant 48 : index
        %get3A_367 = tpu.vector_load %arg9[%get3A_365, %get3A_366] {strides = array<i32>} : memref<200x64xf32, #tpu.memory_space<vmem>>, vector<1x16xf32>,
        %get3A_368 = vector.shape_cast %get3A_367 : vector<1x16xf32> to vector<16xf32>
        %mul3A_369 = arith.constant 8.000000e+00 : f32
        %mul3A_370 = vector.broadcast %mul3A_369 : f32 to vector<16xf32>
        %mul3A_371 = arith.mulf %get3A_368, %mul3A_370 : vector<16xf32>
        %get3A_372 = arith.index_cast %scan3A_313 : i32 to index
        %get3A_373 = arith.constant 48 : index
        %get3A_374 = tpu.vector_load %arg7[%get3A_372, %get3A_373] {strides = array<i32>} : memref<200x64xf32, #tpu.memory_space<vmem>>, vector<1x16xf32>,
        %get3A_375 = vector.shape_cast %get3A_374 : vector<1x16xf32> to vector<16xf32>
        %add3A_376 = arith.addf %mul3A_371, %get3A_375 : vector<16xf32>
        %swap3A_377 = arith.index_cast %scan3A_313 : i32 to index
        %swap3A_378 = arith.constant 48 : index
        %swap3A_379 = tpu.vector_load %arg9[%swap3A_377, %swap3A_378] {strides = array<i32>} : memref<200x64xf32, #tpu.memory_space<vmem>>, vector<1x16xf32>,
        %swap3A_380 = vector.shape_cast %swap3A_379 : vector<1x16xf32> to vector<16xf32>
        %swap3A_381 = vector.shape_cast %add3A_376 : vector<16xf32> to vector<1x16xf32>
        tpu.vector_store %arg9[%swap3A_377, %swap3A_378], %swap3A_381 {strides = array<i32>} : memref<200x64xf32, #tpu.memory_space<vmem>>, vector<1x16xf32>,
        %scan3A_382 = arith.constant 3 : i32
        %scan3A_383 = arith.addi %scan3A_175, %scan3A_382 : i32
        %get3A_384 = arith.index_cast %scan3A_383 : i32 to index
        %get3A_385 = arith.constant 0 : index
        %get3A_386 = tpu.vector_load %arg9[%get3A_384, %get3A_385] {strides = array<i32>} : memref<200x64xf32, #tpu.memory_space<vmem>>, vector<1x16xf32>,
        %get3A_387 = vector.shape_cast %get3A_386 : vector<1x16xf32> to vector<16xf32>
        %mul3A_388 = arith.constant 8.000000e+00 : f32
        %mul3A_389 = vector.broadcast %mul3A_388 : f32 to vector<16xf32>
        %mul3A_390 = arith.mulf %get3A_387, %mul3A_389 : vector<16xf32>
        %get3A_391 = arith.index_cast %scan3A_383 : i32 to index
        %get3A_392 = arith.constant 0 : index
        %get3A_393 = tpu.vector_load %arg7[%get3A_391, %get3A_392] {strides = array<i32>} : memref<200x64xf32, #tpu.memory_space<vmem>>, vector<1x16xf32>,
        %get3A_394 = vector.shape_cast %get3A_393 : vector<1x16xf32> to vector<16xf32>
        %add3A_395 = arith.addf %mul3A_390, %get3A_394 : vector<16xf32>
        %swap3A_396 = arith.index_cast %scan3A_383 : i32 to index
        %swap3A_397 = arith.constant 0 : index
        %swap3A_398 = tpu.vector_load %arg9[%swap3A_396, %swap3A_397] {strides = array<i32>} : memref<200x64xf32, #tpu.memory_space<vmem>>, vector<1x16xf32>,
        %swap3A_399 = vector.shape_cast %swap3A_398 : vector<1x16xf32> to vector<16xf32>
        %swap3A_400 = vector.shape_cast %add3A_395 : vector<16xf32> to vector<1x16xf32>
        tpu.vector_store %arg9[%swap3A_396, %swap3A_397], %swap3A_400 {strides = array<i32>} : memref<200x64xf32, #tpu.memory_space<vmem>>, vector<1x16xf32>,
        %get3A_401 = arith.index_cast %scan3A_383 : i32 to index
        %get3A_402 = arith.constant 16 : index
        %get3A_403 = tpu.vector_load %arg9[%get3A_401, %get3A_402] {strides = array<i32>} : memref<200x64xf32, #tpu.memory_space<vmem>>, vector<1x16xf32>,
        %get3A_404 = vector.shape_cast %get3A_403 : vector<1x16xf32> to vector<16xf32>
        %mul3A_405 = arith.constant 8.000000e+00 : f32
        %mul3A_406 = vector.broadcast %mul3A_405 : f32 to vector<16xf32>
        %mul3A_407 = arith.mulf %get3A_404, %mul3A_406 : vector<16xf32>
        %get3A_408 = arith.index_cast %scan3A_383 : i32 to index
        %get3A_409 = arith.constant 16 : index
        %get3A_410 = tpu.vector_load %arg7[%get3A_408, %get3A_409] {strides = array<i32>} : memref<200x64xf32, #tpu.memory_space<vmem>>, vector<1x16xf32>,
        %get3A_411 = vector.shape_cast %get3A_410 : vector<1x16xf32> to vector<16xf32>
        %add3A_412 = arith.addf %mul3A_407, %get3A_411 : vector<16xf32>
        %swap3A_413 = arith.index_cast %scan3A_383 : i32 to index
        %swap3A_414 = arith.constant 16 : index
        %swap3A_415 = tpu.vector_load %arg9[%swap3A_413, %swap3A_414] {strides = array<i32>} : memref<200x64xf32, #tpu.memory_space<vmem>>, vector<1x16xf32>,
        %swap3A_416 = vector.shape_cast %swap3A_415 : vector<1x16xf32> to vector<16xf32>
        %swap3A_417 = vector.shape_cast %add3A_412 : vector<16xf32> to vector<1x16xf32>
        tpu.vector_store %arg9[%swap3A_413, %swap3A_414], %swap3A_417 {strides = array<i32>} : memref<200x64xf32, #tpu.memory_space<vmem>>, vector<1x16xf32>,
        %get3A_418 = arith.index_cast %scan3A_383 : i32 to index
        %get3A_419 = arith.constant 32 : index
        %get3A_420 = tpu.vector_load %arg9[%get3A_418, %get3A_419] {strides = array<i32>} : memref<200x64xf32, #tpu.memory_space<vmem>>, vector<1x16xf32>,
        %get3A_421 = vector.shape_cast %get3A_420 : vector<1x16xf32> to vector<16xf32>
        %mul3A_422 = arith.constant 8.000000e+00 : f32
        %mul3A_423 = vector.broadcast %mul3A_422 : f32 to vector<16xf32>
        %mul3A_424 = arith.mulf %get3A_421, %mul3A_423 : vector<16xf32>
        %get3A_425 = arith.index_cast %scan3A_383 : i32 to index
        %get3A_426 = arith.constant 32 : index
        %get3A_427 = tpu.vector_load %arg7[%get3A_425, %get3A_426] {strides = array<i32>} : memref<200x64xf32, #tpu.memory_space<vmem>>, vector<1x16xf32>,
        %get3A_428 = vector.shape_cast %get3A_427 : vector<1x16xf32> to vector<16xf32>
        %add3A_429 = arith.addf %mul3A_424, %get3A_428 : vector<16xf32>
        %swap3A_430 = arith.index_cast %scan3A_383 : i32 to index
        %swap3A_431 = arith.constant 32 : index
        %swap3A_432 = tpu.vector_load %arg9[%swap3A_430, %swap3A_431] {strides = array<i32>} : memref<200x64xf32, #tpu.memory_space<vmem>>, vector<1x16xf32>,
        %swap3A_433 = vector.shape_cast %swap3A_432 : vector<1x16xf32> to vector<16xf32>
        %swap3A_434 = vector.shape_cast %add3A_429 : vector<16xf32> to vector<1x16xf32>
        tpu.vector_store %arg9[%swap3A_430, %swap3A_431], %swap3A_434 {strides = array<i32>} : memref<200x64xf32, #tpu.memory_space<vmem>>, vector<1x16xf32>,
        %get3A_435 = arith.index_cast %scan3A_383 : i32 to index
        %get3A_436 = arith.constant 48 : index
        %get3A_437 = tpu.vector_load %arg9[%get3A_435, %get3A_436] {strides = array<i32>} : memref<200x64xf32, #tpu.memory_space<vmem>>, vector<1x16xf32>,
        %get3A_438 = vector.shape_cast %get3A_437 : vector<1x16xf32> to vector<16xf32>
        %mul3A_439 = arith.constant 8.000000e+00 : f32
        %mul3A_440 = vector.broadcast %mul3A_439 : f32 to vector<16xf32>
        %mul3A_441 = arith.mulf %get3A_438, %mul3A_440 : vector<16xf32>
        %get3A_442 = arith.index_cast %scan3A_383 : i32 to index
        %get3A_443 = arith.constant 48 : index
        %get3A_444 = tpu.vector_load %arg7[%get3A_442, %get3A_443] {strides = array<i32>} : memref<200x64xf32, #tpu.memory_space<vmem>>, vector<1x16xf32>,
        %get3A_445 = vector.shape_cast %get3A_444 : vector<1x16xf32> to vector<16xf32>
        %add3A_446 = arith.addf %mul3A_441, %get3A_445 : vector<16xf32>
        %swap3A_447 = arith.index_cast %scan3A_383 : i32 to index
        %swap3A_448 = arith.constant 48 : index
        %swap3A_449 = tpu.vector_load %arg9[%swap3A_447, %swap3A_448] {strides = array<i32>} : memref<200x64xf32, #tpu.memory_space<vmem>>, vector<1x16xf32>,
        %swap3A_450 = vector.shape_cast %swap3A_449 : vector<1x16xf32> to vector<16xf32>
        %swap3A_451 = vector.shape_cast %add3A_446 : vector<16xf32> to vector<1x16xf32>
        tpu.vector_store %arg9[%swap3A_447, %swap3A_448], %swap3A_451 {strides = array<i32>} : memref<200x64xf32, #tpu.memory_space<vmem>>, vector<1x16xf32>,
      }
      %scan3A_79 = arith.constant 200 : i32
      %add3A_80 = arith.addi %mul3A_2, %add3A_67 : i32
      %dma_start3A_81 = arith.constant 0 : i32
      %dma_start3A_82 = arith.constant 0 : i32
      %dma_start3A_83 = tpu.memref_slice %arg5[%add3A_80, %dma_start3A_81, %dma_start3A_82] : memref<4096x200x64xf32, #tpu.memory_space<hbm>> -> memref<1x200x64xf32, #tpu.memory_space<hbm>>
      %dma_start3A_84 = tpu.memref_squeeze %dma_start3A_83 : memref<1x200x64xf32, #tpu.memory_space<hbm>> -> memref<200x64xf32, #tpu.memory_space<hbm>>
      %dma_start3A_85 = arith.constant 0 : i32
      %dma_start3A_86 = arith.constant 0 : i32
      %dma_start3A_87 = tpu.memref_slice %arg5[%add3A_80, %dma_start3A_85, %dma_start3A_86] : memref<4096x200x64xf32, #tpu.memory_space<hbm>> -> memref<1x200x64xf32, #tpu.memory_space<hbm>>
      %dma_start3A_88 = tpu.memref_squeeze %dma_start3A_87 : memref<1x200x64xf32, #tpu.memory_space<hbm>> -> memref<200x64xf32, #tpu.memory_space<hbm>>
      tpu.enqueue_dma source(%arg9 : memref<200x64xf32, #tpu.memory_space<vmem>>) target(%dma_start3A_88 : memref<200x64xf32, #tpu.memory_space<hbm>>) target_semaphore(%arg17 : memref<!tpu.dma_semaphore, #tpu.memory_space<semaphore_mem>>)
      %ge3A_89 = arith.constant 1 : i32
      %ge3A_90 = arith.cmpi sge, %add3A_67, %ge3A_89 : i32
      %convert_element_type3A_91 = arith.extui %ge3A_90 : i1 to i32
      %cond3A_92 = arith.constant 0 : i32
      %cond3A_93 = arith.cmpi ne, %convert_element_type3A_91, %cond3A_92 : i32
      scf.if %cond3A_93 {
        %sub3A = arith.constant 1 : i32
        %sub3A_175 = arith.subi %add3A_67, %sub3A : i32
        %add3A_176 = arith.addi %mul3A_2, %sub3A_175 : i32
        %dma_wait3A_177 = arith.constant 0 : i32
        %dma_wait3A_178 = arith.constant 0 : i32
        %dma_wait3A_179 = tpu.memref_slice %arg5[%add3A_176, %dma_wait3A_177, %dma_wait3A_178] : memref<4096x200x64xf32, #tpu.memory_space<hbm>> -> memref<1x200x64xf32, #tpu.memory_space<hbm>>
        %dma_wait3A_180 = tpu.memref_squeeze %dma_wait3A_179 : memref<1x200x64xf32, #tpu.memory_space<hbm>> -> memref<200x64xf32, #tpu.memory_space<hbm>>
        %dma_wait3A_181 = arith.constant 0 : i32
        %dma_wait3A_182 = arith.constant 0 : i32
        %dma_wait3A_183 = tpu.memref_slice %arg5[%add3A_176, %dma_wait3A_181, %dma_wait3A_182] : memref<4096x200x64xf32, #tpu.memory_space<hbm>> -> memref<1x200x64xf32, #tpu.memory_space<hbm>>
        %dma_wait3A_184 = tpu.memref_squeeze %dma_wait3A_183 : memref<1x200x64xf32, #tpu.memory_space<hbm>> -> memref<200x64xf32, #tpu.memory_space<hbm>>
        tpu.wait_dma2 semaphore(%arg16 : memref<!tpu.dma_semaphore, #tpu.memory_space<semaphore_mem>>) src(%arg8 : memref<200x64xf32, #tpu.memory_space<vmem>>) dst(%dma_wait3A_184 : memref<200x64xf32, #tpu.memory_space<hbm>>)
      } else {
      }
      %add3A_94 = arith.constant 2 : i32
      %add3A_95 = arith.addi %add3A_67, %add3A_94 : i32
      %lt3A_96 = arith.constant 128 : i32
      %lt3A_97 = arith.cmpi slt, %add3A_95, %lt3A_96 : i32
      %convert_element_type3A_98 = arith.extui %lt3A_97 : i1 to i32
      %cond3A_99 = arith.constant 0 : i32
      %cond3A_100 = arith.cmpi ne, %convert_element_type3A_98, %cond3A_99 : i32
      scf.if %cond3A_100 {
        %dma_start3A_175 = arith.constant 0 : i32
        %dma_start3A_176 = tpu.memref_slice %arg6[%add3A_95, %dma_start3A_175] : memref<128x200xi32, #tpu.memory_space<vmem>> -> memref<1x200xi32, #tpu.memory_space<vmem>>
        %dma_start3A_177 = tpu.memref_squeeze %dma_start3A_176 : memref<1x200xi32, #tpu.memory_space<vmem>> -> memref<200xi32, #tpu.memory_space<vmem>>
        %dma_start3A_178 = arith.constant 0 : i32
        %dma_start3A_179 = arith.constant 0 : i32
        %dma_start3A_180 = tpu.memref_slice %arg3[%dma_start3A_178, %dma_start3A_179] : memref<1000001x64xf32, #tpu.memory_space<hbm>> -> memref<1000001x64xf32, #tpu.memory_space<hbm>>
        tpu.enqueue_indirect_dma source(%dma_start3A_180 : memref<1000001x64xf32, #tpu.memory_space<hbm>>) target(%arg11 : memref<200x64xf32, #tpu.memory_space<vmem>>) offsets(%dma_start3A_177 : memref<200xi32, #tpu.memory_space<vmem>>) semaphore(%arg15 : memref<!tpu.dma_semaphore, #tpu.memory_space<semaphore_mem>>)
      } else {
      }
      %mul3A_101 = arith.constant 4 : i32
      %mul3A_102 = arith.muli %scan3A_30, %mul3A_101 : i32
      %add3A_103 = arith.constant 2 : i32
      %add3A_104 = arith.addi %mul3A_102, %add3A_103 : i32
      %dma_wait3A_105 = arith.constant 0 : i32
      %dma_wait3A_106 = tpu.memref_slice %arg6[%add3A_104, %dma_wait3A_105] : memref<128x200xi32, #tpu.memory_space<vmem>> -> memref<1x200xi32, #tpu.memory_space<vmem>>
      %dma_wait3A_107 = tpu.memref_squeeze %dma_wait3A_106 : memref<1x200xi32, #tpu.memory_space<vmem>> -> memref<200xi32, #tpu.memory_space<vmem>>
      %dma_wait3A_108 = arith.constant 0 : i32
      %dma_wait3A_109 = arith.constant 0 : i32
      %dma_wait3A_110 = tpu.memref_slice %arg3[%dma_wait3A_108, %dma_wait3A_109] : memref<1000001x64xf32, #tpu.memory_space<hbm>> -> memref<1000001x64xf32, #tpu.memory_space<hbm>>
      tpu.wait_indirect_dma semaphore(%arg14 : memref<!tpu.dma_semaphore, #tpu.memory_space<semaphore_mem>>) src(%dma_wait3A_110 : memref<1000001x64xf32, #tpu.memory_space<hbm>>) dst(%arg10 : memref<200x64xf32, #tpu.memory_space<vmem>>)
      %scan3A_111 = arith.constant 0 : i32
      %scan3A_112 = arith.constant 0 : i32
      %scan3A_113 = arith.constant 200 : i32
      %scan3A_114 = arith.addi %scan3A_112, %scan3A_113 : i32
      %scan3A_115 = arith.constant 4 : i32
      scf.for %scan3A_175 = %scan3A_112 to %scan3A_114 step %scan3A_115  : i32 {
        %get3A = arith.index_cast %scan3A_175 : i32 to index
        %get3A_176 = arith.constant 0 : index
        %get3A_177 = tpu.vector_load %arg10[%get3A, %get3A_176] {strides = array<i32>} : memref<200x64xf32, #tpu.memory_space<vmem>>, vector<1x16xf32>,
        %get3A_178 = vector.shape_cast %get3A_177 : vector<1x16xf32> to vector<16xf32>
        %mul3A_179 = arith.constant 8.000000e+00 : f32
        %mul3A_180 = vector.broadcast %mul3A_179 : f32 to vector<16xf32>
        %mul3A_181 = arith.mulf %get3A_178, %mul3A_180 : vector<16xf32>
        %get3A_182 = arith.index_cast %scan3A_175 : i32 to index
        %get3A_183 = arith.constant 0 : index
        %get3A_184 = tpu.vector_load %arg7[%get3A_182, %get3A_183] {strides = array<i32>} : memref<200x64xf32, #tpu.memory_space<vmem>>, vector<1x16xf32>,
        %get3A_185 = vector.shape_cast %get3A_184 : vector<1x16xf32> to vector<16xf32>
        %add3A_186 = arith.addf %mul3A_181, %get3A_185 : vector<16xf32>
        %swap3A = arith.index_cast %scan3A_175 : i32 to index
        %swap3A_187 = arith.constant 0 : index
        %swap3A_188 = tpu.vector_load %arg10[%swap3A, %swap3A_187] {strides = array<i32>} : memref<200x64xf32, #tpu.memory_space<vmem>>, vector<1x16xf32>,
        %swap3A_189 = vector.shape_cast %swap3A_188 : vector<1x16xf32> to vector<16xf32>
        %swap3A_190 = vector.shape_cast %add3A_186 : vector<16xf32> to vector<1x16xf32>
        tpu.vector_store %arg10[%swap3A, %swap3A_187], %swap3A_190 {strides = array<i32>} : memref<200x64xf32, #tpu.memory_space<vmem>>, vector<1x16xf32>,
        %get3A_191 = arith.index_cast %scan3A_175 : i32 to index
        %get3A_192 = arith.constant 16 : index
        %get3A_193 = tpu.vector_load %arg10[%get3A_191, %get3A_192] {strides = array<i32>} : memref<200x64xf32, #tpu.memory_space<vmem>>, vector<1x16xf32>,
        %get3A_194 = vector.shape_cast %get3A_193 : vector<1x16xf32> to vector<16xf32>
        %mul3A_195 = arith.constant 8.000000e+00 : f32
        %mul3A_196 = vector.broadcast %mul3A_195 : f32 to vector<16xf32>
        %mul3A_197 = arith.mulf %get3A_194, %mul3A_196 : vector<16xf32>
        %get3A_198 = arith.index_cast %scan3A_175 : i32 to index
        %get3A_199 = arith.constant 16 : index
        %get3A_200 = tpu.vector_load %arg7[%get3A_198, %get3A_199] {strides = array<i32>} : memref<200x64xf32, #tpu.memory_space<vmem>>, vector<1x16xf32>,
        %get3A_201 = vector.shape_cast %get3A_200 : vector<1x16xf32> to vector<16xf32>
        %add3A_202 = arith.addf %mul3A_197, %get3A_201 : vector<16xf32>
        %swap3A_203 = arith.index_cast %scan3A_175 : i32 to index
        %swap3A_204 = arith.constant 16 : index
        %swap3A_205 = tpu.vector_load %arg10[%swap3A_203, %swap3A_204] {strides = array<i32>} : memref<200x64xf32, #tpu.memory_space<vmem>>, vector<1x16xf32>,
        %swap3A_206 = vector.shape_cast %swap3A_205 : vector<1x16xf32> to vector<16xf32>
        %swap3A_207 = vector.shape_cast %add3A_202 : vector<16xf32> to vector<1x16xf32>
        tpu.vector_store %arg10[%swap3A_203, %swap3A_204], %swap3A_207 {strides = array<i32>} : memref<200x64xf32, #tpu.memory_space<vmem>>, vector<1x16xf32>,
        %get3A_208 = arith.index_cast %scan3A_175 : i32 to index
        %get3A_209 = arith.constant 32 : index
        %get3A_210 = tpu.vector_load %arg10[%get3A_208, %get3A_209] {strides = array<i32>} : memref<200x64xf32, #tpu.memory_space<vmem>>, vector<1x16xf32>,
        %get3A_211 = vector.shape_cast %get3A_210 : vector<1x16xf32> to vector<16xf32>
        %mul3A_212 = arith.constant 8.000000e+00 : f32
        %mul3A_213 = vector.broadcast %mul3A_212 : f32 to vector<16xf32>
        %mul3A_214 = arith.mulf %get3A_211, %mul3A_213 : vector<16xf32>
        %get3A_215 = arith.index_cast %scan3A_175 : i32 to index
        %get3A_216 = arith.constant 32 : index
        %get3A_217 = tpu.vector_load %arg7[%get3A_215, %get3A_216] {strides = array<i32>} : memref<200x64xf32, #tpu.memory_space<vmem>>, vector<1x16xf32>,
        %get3A_218 = vector.shape_cast %get3A_217 : vector<1x16xf32> to vector<16xf32>
        %add3A_219 = arith.addf %mul3A_214, %get3A_218 : vector<16xf32>
        %swap3A_220 = arith.index_cast %scan3A_175 : i32 to index
        %swap3A_221 = arith.constant 32 : index
        %swap3A_222 = tpu.vector_load %arg10[%swap3A_220, %swap3A_221] {strides = array<i32>} : memref<200x64xf32, #tpu.memory_space<vmem>>, vector<1x16xf32>,
        %swap3A_223 = vector.shape_cast %swap3A_222 : vector<1x16xf32> to vector<16xf32>
        %swap3A_224 = vector.shape_cast %add3A_219 : vector<16xf32> to vector<1x16xf32>
        tpu.vector_store %arg10[%swap3A_220, %swap3A_221], %swap3A_224 {strides = array<i32>} : memref<200x64xf32, #tpu.memory_space<vmem>>, vector<1x16xf32>,
        %get3A_225 = arith.index_cast %scan3A_175 : i32 to index
        %get3A_226 = arith.constant 48 : index
        %get3A_227 = tpu.vector_load %arg10[%get3A_225, %get3A_226] {strides = array<i32>} : memref<200x64xf32, #tpu.memory_space<vmem>>, vector<1x16xf32>,
        %get3A_228 = vector.shape_cast %get3A_227 : vector<1x16xf32> to vector<16xf32>
        %mul3A_229 = arith.constant 8.000000e+00 : f32
        %mul3A_230 = vector.broadcast %mul3A_229 : f32 to vector<16xf32>
        %mul3A_231 = arith.mulf %get3A_228, %mul3A_230 : vector<16xf32>
        %get3A_232 = arith.index_cast %scan3A_175 : i32 to index
        %get3A_233 = arith.constant 48 : index
        %get3A_234 = tpu.vector_load %arg7[%get3A_232, %get3A_233] {strides = array<i32>} : memref<200x64xf32, #tpu.memory_space<vmem>>, vector<1x16xf32>,
        %get3A_235 = vector.shape_cast %get3A_234 : vector<1x16xf32> to vector<16xf32>
        %add3A_236 = arith.addf %mul3A_231, %get3A_235 : vector<16xf32>
        %swap3A_237 = arith.index_cast %scan3A_175 : i32 to index
        %swap3A_238 = arith.constant 48 : index
        %swap3A_239 = tpu.vector_load %arg10[%swap3A_237, %swap3A_238] {strides = array<i32>} : memref<200x64xf32, #tpu.memory_space<vmem>>, vector<1x16xf32>,
        %swap3A_240 = vector.shape_cast %swap3A_239 : vector<1x16xf32> to vector<16xf32>
        %swap3A_241 = vector.shape_cast %add3A_236 : vector<16xf32> to vector<1x16xf32>
        tpu.vector_store %arg10[%swap3A_237, %swap3A_238], %swap3A_241 {strides = array<i32>} : memref<200x64xf32, #tpu.memory_space<vmem>>, vector<1x16xf32>,
        %scan3A_242 = arith.constant 1 : i32
        %scan3A_243 = arith.addi %scan3A_175, %scan3A_242 : i32
        %get3A_244 = arith.index_cast %scan3A_243 : i32 to index
        %get3A_245 = arith.constant 0 : index
        %get3A_246 = tpu.vector_load %arg10[%get3A_244, %get3A_245] {strides = array<i32>} : memref<200x64xf32, #tpu.memory_space<vmem>>, vector<1x16xf32>,
        %get3A_247 = vector.shape_cast %get3A_246 : vector<1x16xf32> to vector<16xf32>
        %mul3A_248 = arith.constant 8.000000e+00 : f32
        %mul3A_249 = vector.broadcast %mul3A_248 : f32 to vector<16xf32>
        %mul3A_250 = arith.mulf %get3A_247, %mul3A_249 : vector<16xf32>
        %get3A_251 = arith.index_cast %scan3A_243 : i32 to index
        %get3A_252 = arith.constant 0 : index
        %get3A_253 = tpu.vector_load %arg7[%get3A_251, %get3A_252] {strides = array<i32>} : memref<200x64xf32, #tpu.memory_space<vmem>>, vector<1x16xf32>,
        %get3A_254 = vector.shape_cast %get3A_253 : vector<1x16xf32> to vector<16xf32>
        %add3A_255 = arith.addf %mul3A_250, %get3A_254 : vector<16xf32>
        %swap3A_256 = arith.index_cast %scan3A_243 : i32 to index
        %swap3A_257 = arith.constant 0 : index
        %swap3A_258 = tpu.vector_load %arg10[%swap3A_256, %swap3A_257] {strides = array<i32>} : memref<200x64xf32, #tpu.memory_space<vmem>>, vector<1x16xf32>,
        %swap3A_259 = vector.shape_cast %swap3A_258 : vector<1x16xf32> to vector<16xf32>
        %swap3A_260 = vector.shape_cast %add3A_255 : vector<16xf32> to vector<1x16xf32>
        tpu.vector_store %arg10[%swap3A_256, %swap3A_257], %swap3A_260 {strides = array<i32>} : memref<200x64xf32, #tpu.memory_space<vmem>>, vector<1x16xf32>,
        %get3A_261 = arith.index_cast %scan3A_243 : i32 to index
        %get3A_262 = arith.constant 16 : index
        %get3A_263 = tpu.vector_load %arg10[%get3A_261, %get3A_262] {strides = array<i32>} : memref<200x64xf32, #tpu.memory_space<vmem>>, vector<1x16xf32>,
        %get3A_264 = vector.shape_cast %get3A_263 : vector<1x16xf32> to vector<16xf32>
        %mul3A_265 = arith.constant 8.000000e+00 : f32
        %mul3A_266 = vector.broadcast %mul3A_265 : f32 to vector<16xf32>
        %mul3A_267 = arith.mulf %get3A_264, %mul3A_266 : vector<16xf32>
        %get3A_268 = arith.index_cast %scan3A_243 : i32 to index
        %get3A_269 = arith.constant 16 : index
        %get3A_270 = tpu.vector_load %arg7[%get3A_268, %get3A_269] {strides = array<i32>} : memref<200x64xf32, #tpu.memory_space<vmem>>, vector<1x16xf32>,
        %get3A_271 = vector.shape_cast %get3A_270 : vector<1x16xf32> to vector<16xf32>
        %add3A_272 = arith.addf %mul3A_267, %get3A_271 : vector<16xf32>
        %swap3A_273 = arith.index_cast %scan3A_243 : i32 to index
        %swap3A_274 = arith.constant 16 : index
        %swap3A_275 = tpu.vector_load %arg10[%swap3A_273, %swap3A_274] {strides = array<i32>} : memref<200x64xf32, #tpu.memory_space<vmem>>, vector<1x16xf32>,
        %swap3A_276 = vector.shape_cast %swap3A_275 : vector<1x16xf32> to vector<16xf32>
        %swap3A_277 = vector.shape_cast %add3A_272 : vector<16xf32> to vector<1x16xf32>
        tpu.vector_store %arg10[%swap3A_273, %swap3A_274], %swap3A_277 {strides = array<i32>} : memref<200x64xf32, #tpu.memory_space<vmem>>, vector<1x16xf32>,
        %get3A_278 = arith.index_cast %scan3A_243 : i32 to index
        %get3A_279 = arith.constant 32 : index
        %get3A_280 = tpu.vector_load %arg10[%get3A_278, %get3A_279] {strides = array<i32>} : memref<200x64xf32, #tpu.memory_space<vmem>>, vector<1x16xf32>,
        %get3A_281 = vector.shape_cast %get3A_280 : vector<1x16xf32> to vector<16xf32>
        %mul3A_282 = arith.constant 8.000000e+00 : f32
        %mul3A_283 = vector.broadcast %mul3A_282 : f32 to vector<16xf32>
        %mul3A_284 = arith.mulf %get3A_281, %mul3A_283 : vector<16xf32>
        %get3A_285 = arith.index_cast %scan3A_243 : i32 to index
        %get3A_286 = arith.constant 32 : index
        %get3A_287 = tpu.vector_load %arg7[%get3A_285, %get3A_286] {strides = array<i32>} : memref<200x64xf32, #tpu.memory_space<vmem>>, vector<1x16xf32>,
        %get3A_288 = vector.shape_cast %get3A_287 : vector<1x16xf32> to vector<16xf32>
        %add3A_289 = arith.addf %mul3A_284, %get3A_288 : vector<16xf32>
        %swap3A_290 = arith.index_cast %scan3A_243 : i32 to index
        %swap3A_291 = arith.constant 32 : index
        %swap3A_292 = tpu.vector_load %arg10[%swap3A_290, %swap3A_291] {strides = array<i32>} : memref<200x64xf32, #tpu.memory_space<vmem>>, vector<1x16xf32>,
        %swap3A_293 = vector.shape_cast %swap3A_292 : vector<1x16xf32> to vector<16xf32>
        %swap3A_294 = vector.shape_cast %add3A_289 : vector<16xf32> to vector<1x16xf32>
        tpu.vector_store %arg10[%swap3A_290, %swap3A_291], %swap3A_294 {strides = array<i32>} : memref<200x64xf32, #tpu.memory_space<vmem>>, vector<1x16xf32>,
        %get3A_295 = arith.index_cast %scan3A_243 : i32 to index
        %get3A_296 = arith.constant 48 : index
        %get3A_297 = tpu.vector_load %arg10[%get3A_295, %get3A_296] {strides = array<i32>} : memref<200x64xf32, #tpu.memory_space<vmem>>, vector<1x16xf32>,
        %get3A_298 = vector.shape_cast %get3A_297 : vector<1x16xf32> to vector<16xf32>
        %mul3A_299 = arith.constant 8.000000e+00 : f32
        %mul3A_300 = vector.broadcast %mul3A_299 : f32 to vector<16xf32>
        %mul3A_301 = arith.mulf %get3A_298, %mul3A_300 : vector<16xf32>
        %get3A_302 = arith.index_cast %scan3A_243 : i32 to index
        %get3A_303 = arith.constant 48 : index
        %get3A_304 = tpu.vector_load %arg7[%get3A_302, %get3A_303] {strides = array<i32>} : memref<200x64xf32, #tpu.memory_space<vmem>>, vector<1x16xf32>,
        %get3A_305 = vector.shape_cast %get3A_304 : vector<1x16xf32> to vector<16xf32>
        %add3A_306 = arith.addf %mul3A_301, %get3A_305 : vector<16xf32>
        %swap3A_307 = arith.index_cast %scan3A_243 : i32 to index
        %swap3A_308 = arith.constant 48 : index
        %swap3A_309 = tpu.vector_load %arg10[%swap3A_307, %swap3A_308] {strides = array<i32>} : memref<200x64xf32, #tpu.memory_space<vmem>>, vector<1x16xf32>,
        %swap3A_310 = vector.shape_cast %swap3A_309 : vector<1x16xf32> to vector<16xf32>
        %swap3A_311 = vector.shape_cast %add3A_306 : vector<16xf32> to vector<1x16xf32>
        tpu.vector_store %arg10[%swap3A_307, %swap3A_308], %swap3A_311 {strides = array<i32>} : memref<200x64xf32, #tpu.memory_space<vmem>>, vector<1x16xf32>,
        %scan3A_312 = arith.constant 2 : i32
        %scan3A_313 = arith.addi %scan3A_175, %scan3A_312 : i32
        %get3A_314 = arith.index_cast %scan3A_313 : i32 to index
        %get3A_315 = arith.constant 0 : index
        %get3A_316 = tpu.vector_load %arg10[%get3A_314, %get3A_315] {strides = array<i32>} : memref<200x64xf32, #tpu.memory_space<vmem>>, vector<1x16xf32>,
        %get3A_317 = vector.shape_cast %get3A_316 : vector<1x16xf32> to vector<16xf32>
        %mul3A_318 = arith.constant 8.000000e+00 : f32
        %mul3A_319 = vector.broadcast %mul3A_318 : f32 to vector<16xf32>
        %mul3A_320 = arith.mulf %get3A_317, %mul3A_319 : vector<16xf32>
        %get3A_321 = arith.index_cast %scan3A_313 : i32 to index
        %get3A_322 = arith.constant 0 : index
        %get3A_323 = tpu.vector_load %arg7[%get3A_321, %get3A_322] {strides = array<i32>} : memref<200x64xf32, #tpu.memory_space<vmem>>, vector<1x16xf32>,
        %get3A_324 = vector.shape_cast %get3A_323 : vector<1x16xf32> to vector<16xf32>
        %add3A_325 = arith.addf %mul3A_320, %get3A_324 : vector<16xf32>
        %swap3A_326 = arith.index_cast %scan3A_313 : i32 to index
        %swap3A_327 = arith.constant 0 : index
        %swap3A_328 = tpu.vector_load %arg10[%swap3A_326, %swap3A_327] {strides = array<i32>} : memref<200x64xf32, #tpu.memory_space<vmem>>, vector<1x16xf32>,
        %swap3A_329 = vector.shape_cast %swap3A_328 : vector<1x16xf32> to vector<16xf32>
        %swap3A_330 = vector.shape_cast %add3A_325 : vector<16xf32> to vector<1x16xf32>
        tpu.vector_store %arg10[%swap3A_326, %swap3A_327], %swap3A_330 {strides = array<i32>} : memref<200x64xf32, #tpu.memory_space<vmem>>, vector<1x16xf32>,
        %get3A_331 = arith.index_cast %scan3A_313 : i32 to index
        %get3A_332 = arith.constant 16 : index
        %get3A_333 = tpu.vector_load %arg10[%get3A_331, %get3A_332] {strides = array<i32>} : memref<200x64xf32, #tpu.memory_space<vmem>>, vector<1x16xf32>,
        %get3A_334 = vector.shape_cast %get3A_333 : vector<1x16xf32> to vector<16xf32>
        %mul3A_335 = arith.constant 8.000000e+00 : f32
        %mul3A_336 = vector.broadcast %mul3A_335 : f32 to vector<16xf32>
        %mul3A_337 = arith.mulf %get3A_334, %mul3A_336 : vector<16xf32>
        %get3A_338 = arith.index_cast %scan3A_313 : i32 to index
        %get3A_339 = arith.constant 16 : index
        %get3A_340 = tpu.vector_load %arg7[%get3A_338, %get3A_339] {strides = array<i32>} : memref<200x64xf32, #tpu.memory_space<vmem>>, vector<1x16xf32>,
        %get3A_341 = vector.shape_cast %get3A_340 : vector<1x16xf32> to vector<16xf32>
        %add3A_342 = arith.addf %mul3A_337, %get3A_341 : vector<16xf32>
        %swap3A_343 = arith.index_cast %scan3A_313 : i32 to index
        %swap3A_344 = arith.constant 16 : index
        %swap3A_345 = tpu.vector_load %arg10[%swap3A_343, %swap3A_344] {strides = array<i32>} : memref<200x64xf32, #tpu.memory_space<vmem>>, vector<1x16xf32>,
        %swap3A_346 = vector.shape_cast %swap3A_345 : vector<1x16xf32> to vector<16xf32>
        %swap3A_347 = vector.shape_cast %add3A_342 : vector<16xf32> to vector<1x16xf32>
        tpu.vector_store %arg10[%swap3A_343, %swap3A_344], %swap3A_347 {strides = array<i32>} : memref<200x64xf32, #tpu.memory_space<vmem>>, vector<1x16xf32>,
        %get3A_348 = arith.index_cast %scan3A_313 : i32 to index
        %get3A_349 = arith.constant 32 : index
        %get3A_350 = tpu.vector_load %arg10[%get3A_348, %get3A_349] {strides = array<i32>} : memref<200x64xf32, #tpu.memory_space<vmem>>, vector<1x16xf32>,
        %get3A_351 = vector.shape_cast %get3A_350 : vector<1x16xf32> to vector<16xf32>
        %mul3A_352 = arith.constant 8.000000e+00 : f32
        %mul3A_353 = vector.broadcast %mul3A_352 : f32 to vector<16xf32>
        %mul3A_354 = arith.mulf %get3A_351, %mul3A_353 : vector<16xf32>
        %get3A_355 = arith.index_cast %scan3A_313 : i32 to index
        %get3A_356 = arith.constant 32 : index
        %get3A_357 = tpu.vector_load %arg7[%get3A_355, %get3A_356] {strides = array<i32>} : memref<200x64xf32, #tpu.memory_space<vmem>>, vector<1x16xf32>,
        %get3A_358 = vector.shape_cast %get3A_357 : vector<1x16xf32> to vector<16xf32>
        %add3A_359 = arith.addf %mul3A_354, %get3A_358 : vector<16xf32>
        %swap3A_360 = arith.index_cast %scan3A_313 : i32 to index
        %swap3A_361 = arith.constant 32 : index
        %swap3A_362 = tpu.vector_load %arg10[%swap3A_360, %swap3A_361] {strides = array<i32>} : memref<200x64xf32, #tpu.memory_space<vmem>>, vector<1x16xf32>,
        %swap3A_363 = vector.shape_cast %swap3A_362 : vector<1x16xf32> to vector<16xf32>
        %swap3A_364 = vector.shape_cast %add3A_359 : vector<16xf32> to vector<1x16xf32>
        tpu.vector_store %arg10[%swap3A_360, %swap3A_361], %swap3A_364 {strides = array<i32>} : memref<200x64xf32, #tpu.memory_space<vmem>>, vector<1x16xf32>,
        %get3A_365 = arith.index_cast %scan3A_313 : i32 to index
        %get3A_366 = arith.constant 48 : index
        %get3A_367 = tpu.vector_load %arg10[%get3A_365, %get3A_366] {strides = array<i32>} : memref<200x64xf32, #tpu.memory_space<vmem>>, vector<1x16xf32>,
        %get3A_368 = vector.shape_cast %get3A_367 : vector<1x16xf32> to vector<16xf32>
        %mul3A_369 = arith.constant 8.000000e+00 : f32
        %mul3A_370 = vector.broadcast %mul3A_369 : f32 to vector<16xf32>
        %mul3A_371 = arith.mulf %get3A_368, %mul3A_370 : vector<16xf32>
        %get3A_372 = arith.index_cast %scan3A_313 : i32 to index
        %get3A_373 = arith.constant 48 : index
        %get3A_374 = tpu.vector_load %arg7[%get3A_372, %get3A_373] {strides = array<i32>} : memref<200x64xf32, #tpu.memory_space<vmem>>, vector<1x16xf32>,
        %get3A_375 = vector.shape_cast %get3A_374 : vector<1x16xf32> to vector<16xf32>
        %add3A_376 = arith.addf %mul3A_371, %get3A_375 : vector<16xf32>
        %swap3A_377 = arith.index_cast %scan3A_313 : i32 to index
        %swap3A_378 = arith.constant 48 : index
        %swap3A_379 = tpu.vector_load %arg10[%swap3A_377, %swap3A_378] {strides = array<i32>} : memref<200x64xf32, #tpu.memory_space<vmem>>, vector<1x16xf32>,
        %swap3A_380 = vector.shape_cast %swap3A_379 : vector<1x16xf32> to vector<16xf32>
        %swap3A_381 = vector.shape_cast %add3A_376 : vector<16xf32> to vector<1x16xf32>
        tpu.vector_store %arg10[%swap3A_377, %swap3A_378], %swap3A_381 {strides = array<i32>} : memref<200x64xf32, #tpu.memory_space<vmem>>, vector<1x16xf32>,
        %scan3A_382 = arith.constant 3 : i32
        %scan3A_383 = arith.addi %scan3A_175, %scan3A_382 : i32
        %get3A_384 = arith.index_cast %scan3A_383 : i32 to index
        %get3A_385 = arith.constant 0 : index
        %get3A_386 = tpu.vector_load %arg10[%get3A_384, %get3A_385] {strides = array<i32>} : memref<200x64xf32, #tpu.memory_space<vmem>>, vector<1x16xf32>,
        %get3A_387 = vector.shape_cast %get3A_386 : vector<1x16xf32> to vector<16xf32>
        %mul3A_388 = arith.constant 8.000000e+00 : f32
        %mul3A_389 = vector.broadcast %mul3A_388 : f32 to vector<16xf32>
        %mul3A_390 = arith.mulf %get3A_387, %mul3A_389 : vector<16xf32>
        %get3A_391 = arith.index_cast %scan3A_383 : i32 to index
        %get3A_392 = arith.constant 0 : index
        %get3A_393 = tpu.vector_load %arg7[%get3A_391, %get3A_392] {strides = array<i32>} : memref<200x64xf32, #tpu.memory_space<vmem>>, vector<1x16xf32>,
        %get3A_394 = vector.shape_cast %get3A_393 : vector<1x16xf32> to vector<16xf32>
        %add3A_395 = arith.addf %mul3A_390, %get3A_394 : vector<16xf32>
        %swap3A_396 = arith.index_cast %scan3A_383 : i32 to index
        %swap3A_397 = arith.constant 0 : index
        %swap3A_398 = tpu.vector_load %arg10[%swap3A_396, %swap3A_397] {strides = array<i32>} : memref<200x64xf32, #tpu.memory_space<vmem>>, vector<1x16xf32>,
        %swap3A_399 = vector.shape_cast %swap3A_398 : vector<1x16xf32> to vector<16xf32>
        %swap3A_400 = vector.shape_cast %add3A_395 : vector<16xf32> to vector<1x16xf32>
        tpu.vector_store %arg10[%swap3A_396, %swap3A_397], %swap3A_400 {strides = array<i32>} : memref<200x64xf32, #tpu.memory_space<vmem>>, vector<1x16xf32>,
        %get3A_401 = arith.index_cast %scan3A_383 : i32 to index
        %get3A_402 = arith.constant 16 : index
        %get3A_403 = tpu.vector_load %arg10[%get3A_401, %get3A_402] {strides = array<i32>} : memref<200x64xf32, #tpu.memory_space<vmem>>, vector<1x16xf32>,
        %get3A_404 = vector.shape_cast %get3A_403 : vector<1x16xf32> to vector<16xf32>
        %mul3A_405 = arith.constant 8.000000e+00 : f32
        %mul3A_406 = vector.broadcast %mul3A_405 : f32 to vector<16xf32>
        %mul3A_407 = arith.mulf %get3A_404, %mul3A_406 : vector<16xf32>
        %get3A_408 = arith.index_cast %scan3A_383 : i32 to index
        %get3A_409 = arith.constant 16 : index
        %get3A_410 = tpu.vector_load %arg7[%get3A_408, %get3A_409] {strides = array<i32>} : memref<200x64xf32, #tpu.memory_space<vmem>>, vector<1x16xf32>,
        %get3A_411 = vector.shape_cast %get3A_410 : vector<1x16xf32> to vector<16xf32>
        %add3A_412 = arith.addf %mul3A_407, %get3A_411 : vector<16xf32>
        %swap3A_413 = arith.index_cast %scan3A_383 : i32 to index
        %swap3A_414 = arith.constant 16 : index
        %swap3A_415 = tpu.vector_load %arg10[%swap3A_413, %swap3A_414] {strides = array<i32>} : memref<200x64xf32, #tpu.memory_space<vmem>>, vector<1x16xf32>,
        %swap3A_416 = vector.shape_cast %swap3A_415 : vector<1x16xf32> to vector<16xf32>
        %swap3A_417 = vector.shape_cast %add3A_412 : vector<16xf32> to vector<1x16xf32>
        tpu.vector_store %arg10[%swap3A_413, %swap3A_414], %swap3A_417 {strides = array<i32>} : memref<200x64xf32, #tpu.memory_space<vmem>>, vector<1x16xf32>,
        %get3A_418 = arith.index_cast %scan3A_383 : i32 to index
        %get3A_419 = arith.constant 32 : index
        %get3A_420 = tpu.vector_load %arg10[%get3A_418, %get3A_419] {strides = array<i32>} : memref<200x64xf32, #tpu.memory_space<vmem>>, vector<1x16xf32>,
        %get3A_421 = vector.shape_cast %get3A_420 : vector<1x16xf32> to vector<16xf32>
        %mul3A_422 = arith.constant 8.000000e+00 : f32
        %mul3A_423 = vector.broadcast %mul3A_422 : f32 to vector<16xf32>
        %mul3A_424 = arith.mulf %get3A_421, %mul3A_423 : vector<16xf32>
        %get3A_425 = arith.index_cast %scan3A_383 : i32 to index
        %get3A_426 = arith.constant 32 : index
        %get3A_427 = tpu.vector_load %arg7[%get3A_425, %get3A_426] {strides = array<i32>} : memref<200x64xf32, #tpu.memory_space<vmem>>, vector<1x16xf32>,
        %get3A_428 = vector.shape_cast %get3A_427 : vector<1x16xf32> to vector<16xf32>
        %add3A_429 = arith.addf %mul3A_424, %get3A_428 : vector<16xf32>
        %swap3A_430 = arith.index_cast %scan3A_383 : i32 to index
        %swap3A_431 = arith.constant 32 : index
        %swap3A_432 = tpu.vector_load %arg10[%swap3A_430, %swap3A_431] {strides = array<i32>} : memref<200x64xf32, #tpu.memory_space<vmem>>, vector<1x16xf32>,
        %swap3A_433 = vector.shape_cast %swap3A_432 : vector<1x16xf32> to vector<16xf32>
        %swap3A_434 = vector.shape_cast %add3A_429 : vector<16xf32> to vector<1x16xf32>
        tpu.vector_store %arg10[%swap3A_430, %swap3A_431], %swap3A_434 {strides = array<i32>} : memref<200x64xf32, #tpu.memory_space<vmem>>, vector<1x16xf32>,
        %get3A_435 = arith.index_cast %scan3A_383 : i32 to index
        %get3A_436 = arith.constant 48 : index
        %get3A_437 = tpu.vector_load %arg10[%get3A_435, %get3A_436] {strides = array<i32>} : memref<200x64xf32, #tpu.memory_space<vmem>>, vector<1x16xf32>,
        %get3A_438 = vector.shape_cast %get3A_437 : vector<1x16xf32> to vector<16xf32>
        %mul3A_439 = arith.constant 8.000000e+00 : f32
        %mul3A_440 = vector.broadcast %mul3A_439 : f32 to vector<16xf32>
        %mul3A_441 = arith.mulf %get3A_438, %mul3A_440 : vector<16xf32>
        %get3A_442 = arith.index_cast %scan3A_383 : i32 to index
        %get3A_443 = arith.constant 48 : index
        %get3A_444 = tpu.vector_load %arg7[%get3A_442, %get3A_443] {strides = array<i32>} : memref<200x64xf32, #tpu.memory_space<vmem>>, vector<1x16xf32>,
        %get3A_445 = vector.shape_cast %get3A_444 : vector<1x16xf32> to vector<16xf32>
        %add3A_446 = arith.addf %mul3A_441, %get3A_445 : vector<16xf32>
        %swap3A_447 = arith.index_cast %scan3A_383 : i32 to index
        %swap3A_448 = arith.constant 48 : index
        %swap3A_449 = tpu.vector_load %arg10[%swap3A_447, %swap3A_448] {strides = array<i32>} : memref<200x64xf32, #tpu.memory_space<vmem>>, vector<1x16xf32>,
        %swap3A_450 = vector.shape_cast %swap3A_449 : vector<1x16xf32> to vector<16xf32>
        %swap3A_451 = vector.shape_cast %add3A_446 : vector<16xf32> to vector<1x16xf32>
        tpu.vector_store %arg10[%swap3A_447, %swap3A_448], %swap3A_451 {strides = array<i32>} : memref<200x64xf32, #tpu.memory_space<vmem>>, vector<1x16xf32>,
      }
      %scan3A_116 = arith.constant 200 : i32
      %add3A_117 = arith.addi %mul3A_2, %add3A_104 : i32
      %dma_start3A_118 = arith.constant 0 : i32
      %dma_start3A_119 = arith.constant 0 : i32
      %dma_start3A_120 = tpu.memref_slice %arg5[%add3A_117, %dma_start3A_118, %dma_start3A_119] : memref<4096x200x64xf32, #tpu.memory_space<hbm>> -> memref<1x200x64xf32, #tpu.memory_space<hbm>>
      %dma_start3A_121 = tpu.memref_squeeze %dma_start3A_120 : memref<1x200x64xf32, #tpu.memory_space<hbm>> -> memref<200x64xf32, #tpu.memory_space<hbm>>
      %dma_start3A_122 = arith.constant 0 : i32
      %dma_start3A_123 = arith.constant 0 : i32
      %dma_start3A_124 = tpu.memref_slice %arg5[%add3A_117, %dma_start3A_122, %dma_start3A_123] : memref<4096x200x64xf32, #tpu.memory_space<hbm>> -> memref<1x200x64xf32, #tpu.memory_space<hbm>>
      %dma_start3A_125 = tpu.memref_squeeze %dma_start3A_124 : memref<1x200x64xf32, #tpu.memory_space<hbm>> -> memref<200x64xf32, #tpu.memory_space<hbm>>
      tpu.enqueue_dma source(%arg10 : memref<200x64xf32, #tpu.memory_space<vmem>>) target(%dma_start3A_125 : memref<200x64xf32, #tpu.memory_space<hbm>>) target_semaphore(%arg18 : memref<!tpu.dma_semaphore, #tpu.memory_space<semaphore_mem>>)
      %ge3A_126 = arith.constant 1 : i32
      %ge3A_127 = arith.cmpi sge, %add3A_104, %ge3A_126 : i32
      %convert_element_type3A_128 = arith.extui %ge3A_127 : i1 to i32
      %cond3A_129 = arith.constant 0 : i32
      %cond3A_130 = arith.cmpi ne, %convert_element_type3A_128, %cond3A_129 : i32
      scf.if %cond3A_130 {
        %sub3A = arith.constant 1 : i32
        %sub3A_175 = arith.subi %add3A_104, %sub3A : i32
        %add3A_176 = arith.addi %mul3A_2, %sub3A_175 : i32
        %dma_wait3A_177 = arith.constant 0 : i32
        %dma_wait3A_178 = arith.constant 0 : i32
        %dma_wait3A_179 = tpu.memref_slice %arg5[%add3A_176, %dma_wait3A_177, %dma_wait3A_178] : memref<4096x200x64xf32, #tpu.memory_space<hbm>> -> memref<1x200x64xf32, #tpu.memory_space<hbm>>
        %dma_wait3A_180 = tpu.memref_squeeze %dma_wait3A_179 : memref<1x200x64xf32, #tpu.memory_space<hbm>> -> memref<200x64xf32, #tpu.memory_space<hbm>>
        %dma_wait3A_181 = arith.constant 0 : i32
        %dma_wait3A_182 = arith.constant 0 : i32
        %dma_wait3A_183 = tpu.memref_slice %arg5[%add3A_176, %dma_wait3A_181, %dma_wait3A_182] : memref<4096x200x64xf32, #tpu.memory_space<hbm>> -> memref<1x200x64xf32, #tpu.memory_space<hbm>>
        %dma_wait3A_184 = tpu.memref_squeeze %dma_wait3A_183 : memref<1x200x64xf32, #tpu.memory_space<hbm>> -> memref<200x64xf32, #tpu.memory_space<hbm>>
        tpu.wait_dma2 semaphore(%arg17 : memref<!tpu.dma_semaphore, #tpu.memory_space<semaphore_mem>>) src(%arg9 : memref<200x64xf32, #tpu.memory_space<vmem>>) dst(%dma_wait3A_184 : memref<200x64xf32, #tpu.memory_space<hbm>>)
      } else {
      }
      %add3A_131 = arith.constant 2 : i32
      %add3A_132 = arith.addi %add3A_104, %add3A_131 : i32
      %lt3A_133 = arith.constant 128 : i32
      %lt3A_134 = arith.cmpi slt, %add3A_132, %lt3A_133 : i32
      %convert_element_type3A_135 = arith.extui %lt3A_134 : i1 to i32
      %cond3A_136 = arith.constant 0 : i32
      %cond3A_137 = arith.cmpi ne, %convert_element_type3A_135, %cond3A_136 : i32
      scf.if %cond3A_137 {
        %dma_start3A_175 = arith.constant 0 : i32
        %dma_start3A_176 = tpu.memref_slice %arg6[%add3A_132, %dma_start3A_175] : memref<128x200xi32, #tpu.memory_space<vmem>> -> memref<1x200xi32, #tpu.memory_space<vmem>>
        %dma_start3A_177 = tpu.memref_squeeze %dma_start3A_176 : memref<1x200xi32, #tpu.memory_space<vmem>> -> memref<200xi32, #tpu.memory_space<vmem>>
        %dma_start3A_178 = arith.constant 0 : i32
        %dma_start3A_179 = arith.constant 0 : i32
        %dma_start3A_180 = tpu.memref_slice %arg3[%dma_start3A_178, %dma_start3A_179] : memref<1000001x64xf32, #tpu.memory_space<hbm>> -> memref<1000001x64xf32, #tpu.memory_space<hbm>>
        tpu.enqueue_indirect_dma source(%dma_start3A_180 : memref<1000001x64xf32, #tpu.memory_space<hbm>>) target(%arg8 : memref<200x64xf32, #tpu.memory_space<vmem>>) offsets(%dma_start3A_177 : memref<200xi32, #tpu.memory_space<vmem>>) semaphore(%arg12 : memref<!tpu.dma_semaphore, #tpu.memory_space<semaphore_mem>>)
      } else {
      }
      %mul3A_138 = arith.constant 4 : i32
      %mul3A_139 = arith.muli %scan3A_30, %mul3A_138 : i32
      %add3A_140 = arith.constant 3 : i32
      %add3A_141 = arith.addi %mul3A_139, %add3A_140 : i32
      %dma_wait3A_142 = arith.constant 0 : i32
      %dma_wait3A_143 = tpu.memref_slice %arg6[%add3A_141, %dma_wait3A_142] : memref<128x200xi32, #tpu.memory_space<vmem>> -> memref<1x200xi32, #tpu.memory_space<vmem>>
      %dma_wait3A_144 = tpu.memref_squeeze %dma_wait3A_143 : memref<1x200xi32, #tpu.memory_space<vmem>> -> memref<200xi32, #tpu.memory_space<vmem>>
      %dma_wait3A_145 = arith.constant 0 : i32
      %dma_wait3A_146 = arith.constant 0 : i32
      %dma_wait3A_147 = tpu.memref_slice %arg3[%dma_wait3A_145, %dma_wait3A_146] : memref<1000001x64xf32, #tpu.memory_space<hbm>> -> memref<1000001x64xf32, #tpu.memory_space<hbm>>
      tpu.wait_indirect_dma semaphore(%arg15 : memref<!tpu.dma_semaphore, #tpu.memory_space<semaphore_mem>>) src(%dma_wait3A_147 : memref<1000001x64xf32, #tpu.memory_space<hbm>>) dst(%arg11 : memref<200x64xf32, #tpu.memory_space<vmem>>)
      %scan3A_148 = arith.constant 0 : i32
      %scan3A_149 = arith.constant 0 : i32
      %scan3A_150 = arith.constant 200 : i32
      %scan3A_151 = arith.addi %scan3A_149, %scan3A_150 : i32
      %scan3A_152 = arith.constant 4 : i32
      scf.for %scan3A_175 = %scan3A_149 to %scan3A_151 step %scan3A_152  : i32 {
        %get3A = arith.index_cast %scan3A_175 : i32 to index
        %get3A_176 = arith.constant 0 : index
        %get3A_177 = tpu.vector_load %arg11[%get3A, %get3A_176] {strides = array<i32>} : memref<200x64xf32, #tpu.memory_space<vmem>>, vector<1x16xf32>,
        %get3A_178 = vector.shape_cast %get3A_177 : vector<1x16xf32> to vector<16xf32>
        %mul3A_179 = arith.constant 8.000000e+00 : f32
        %mul3A_180 = vector.broadcast %mul3A_179 : f32 to vector<16xf32>
        %mul3A_181 = arith.mulf %get3A_178, %mul3A_180 : vector<16xf32>
        %get3A_182 = arith.index_cast %scan3A_175 : i32 to index
        %get3A_183 = arith.constant 0 : index
        %get3A_184 = tpu.vector_load %arg7[%get3A_182, %get3A_183] {strides = array<i32>} : memref<200x64xf32, #tpu.memory_space<vmem>>, vector<1x16xf32>,
        %get3A_185 = vector.shape_cast %get3A_184 : vector<1x16xf32> to vector<16xf32>
        %add3A_186 = arith.addf %mul3A_181, %get3A_185 : vector<16xf32>
        %swap3A = arith.index_cast %scan3A_175 : i32 to index
        %swap3A_187 = arith.constant 0 : index
        %swap3A_188 = tpu.vector_load %arg11[%swap3A, %swap3A_187] {strides = array<i32>} : memref<200x64xf32, #tpu.memory_space<vmem>>, vector<1x16xf32>,
        %swap3A_189 = vector.shape_cast %swap3A_188 : vector<1x16xf32> to vector<16xf32>
        %swap3A_190 = vector.shape_cast %add3A_186 : vector<16xf32> to vector<1x16xf32>
        tpu.vector_store %arg11[%swap3A, %swap3A_187], %swap3A_190 {strides = array<i32>} : memref<200x64xf32, #tpu.memory_space<vmem>>, vector<1x16xf32>,
        %get3A_191 = arith.index_cast %scan3A_175 : i32 to index
        %get3A_192 = arith.constant 16 : index
        %get3A_193 = tpu.vector_load %arg11[%get3A_191, %get3A_192] {strides = array<i32>} : memref<200x64xf32, #tpu.memory_space<vmem>>, vector<1x16xf32>,
        %get3A_194 = vector.shape_cast %get3A_193 : vector<1x16xf32> to vector<16xf32>
        %mul3A_195 = arith.constant 8.000000e+00 : f32
        %mul3A_196 = vector.broadcast %mul3A_195 : f32 to vector<16xf32>
        %mul3A_197 = arith.mulf %get3A_194, %mul3A_196 : vector<16xf32>
        %get3A_198 = arith.index_cast %scan3A_175 : i32 to index
        %get3A_199 = arith.constant 16 : index
        %get3A_200 = tpu.vector_load %arg7[%get3A_198, %get3A_199] {strides = array<i32>} : memref<200x64xf32, #tpu.memory_space<vmem>>, vector<1x16xf32>,
        %get3A_201 = vector.shape_cast %get3A_200 : vector<1x16xf32> to vector<16xf32>
        %add3A_202 = arith.addf %mul3A_197, %get3A_201 : vector<16xf32>
        %swap3A_203 = arith.index_cast %scan3A_175 : i32 to index
        %swap3A_204 = arith.constant 16 : index
        %swap3A_205 = tpu.vector_load %arg11[%swap3A_203, %swap3A_204] {strides = array<i32>} : memref<200x64xf32, #tpu.memory_space<vmem>>, vector<1x16xf32>,
        %swap3A_206 = vector.shape_cast %swap3A_205 : vector<1x16xf32> to vector<16xf32>
        %swap3A_207 = vector.shape_cast %add3A_202 : vector<16xf32> to vector<1x16xf32>
        tpu.vector_store %arg11[%swap3A_203, %swap3A_204], %swap3A_207 {strides = array<i32>} : memref<200x64xf32, #tpu.memory_space<vmem>>, vector<1x16xf32>,
        %get3A_208 = arith.index_cast %scan3A_175 : i32 to index
        %get3A_209 = arith.constant 32 : index
        %get3A_210 = tpu.vector_load %arg11[%get3A_208, %get3A_209] {strides = array<i32>} : memref<200x64xf32, #tpu.memory_space<vmem>>, vector<1x16xf32>,
        %get3A_211 = vector.shape_cast %get3A_210 : vector<1x16xf32> to vector<16xf32>
        %mul3A_212 = arith.constant 8.000000e+00 : f32
        %mul3A_213 = vector.broadcast %mul3A_212 : f32 to vector<16xf32>
        %mul3A_214 = arith.mulf %get3A_211, %mul3A_213 : vector<16xf32>
        %get3A_215 = arith.index_cast %scan3A_175 : i32 to index
        %get3A_216 = arith.constant 32 : index
        %get3A_217 = tpu.vector_load %arg7[%get3A_215, %get3A_216] {strides = array<i32>} : memref<200x64xf32, #tpu.memory_space<vmem>>, vector<1x16xf32>,
        %get3A_218 = vector.shape_cast %get3A_217 : vector<1x16xf32> to vector<16xf32>
        %add3A_219 = arith.addf %mul3A_214, %get3A_218 : vector<16xf32>
        %swap3A_220 = arith.index_cast %scan3A_175 : i32 to index
        %swap3A_221 = arith.constant 32 : index
        %swap3A_222 = tpu.vector_load %arg11[%swap3A_220, %swap3A_221] {strides = array<i32>} : memref<200x64xf32, #tpu.memory_space<vmem>>, vector<1x16xf32>,
        %swap3A_223 = vector.shape_cast %swap3A_222 : vector<1x16xf32> to vector<16xf32>
        %swap3A_224 = vector.shape_cast %add3A_219 : vector<16xf32> to vector<1x16xf32>
        tpu.vector_store %arg11[%swap3A_220, %swap3A_221], %swap3A_224 {strides = array<i32>} : memref<200x64xf32, #tpu.memory_space<vmem>>, vector<1x16xf32>,
        %get3A_225 = arith.index_cast %scan3A_175 : i32 to index
        %get3A_226 = arith.constant 48 : index
        %get3A_227 = tpu.vector_load %arg11[%get3A_225, %get3A_226] {strides = array<i32>} : memref<200x64xf32, #tpu.memory_space<vmem>>, vector<1x16xf32>,
        %get3A_228 = vector.shape_cast %get3A_227 : vector<1x16xf32> to vector<16xf32>
        %mul3A_229 = arith.constant 8.000000e+00 : f32
        %mul3A_230 = vector.broadcast %mul3A_229 : f32 to vector<16xf32>
        %mul3A_231 = arith.mulf %get3A_228, %mul3A_230 : vector<16xf32>
        %get3A_232 = arith.index_cast %scan3A_175 : i32 to index
        %get3A_233 = arith.constant 48 : index
        %get3A_234 = tpu.vector_load %arg7[%get3A_232, %get3A_233] {strides = array<i32>} : memref<200x64xf32, #tpu.memory_space<vmem>>, vector<1x16xf32>,
        %get3A_235 = vector.shape_cast %get3A_234 : vector<1x16xf32> to vector<16xf32>
        %add3A_236 = arith.addf %mul3A_231, %get3A_235 : vector<16xf32>
        %swap3A_237 = arith.index_cast %scan3A_175 : i32 to index
        %swap3A_238 = arith.constant 48 : index
        %swap3A_239 = tpu.vector_load %arg11[%swap3A_237, %swap3A_238] {strides = array<i32>} : memref<200x64xf32, #tpu.memory_space<vmem>>, vector<1x16xf32>,
        %swap3A_240 = vector.shape_cast %swap3A_239 : vector<1x16xf32> to vector<16xf32>
        %swap3A_241 = vector.shape_cast %add3A_236 : vector<16xf32> to vector<1x16xf32>
        tpu.vector_store %arg11[%swap3A_237, %swap3A_238], %swap3A_241 {strides = array<i32>} : memref<200x64xf32, #tpu.memory_space<vmem>>, vector<1x16xf32>,
        %scan3A_242 = arith.constant 1 : i32
        %scan3A_243 = arith.addi %scan3A_175, %scan3A_242 : i32
        %get3A_244 = arith.index_cast %scan3A_243 : i32 to index
        %get3A_245 = arith.constant 0 : index
        %get3A_246 = tpu.vector_load %arg11[%get3A_244, %get3A_245] {strides = array<i32>} : memref<200x64xf32, #tpu.memory_space<vmem>>, vector<1x16xf32>,
        %get3A_247 = vector.shape_cast %get3A_246 : vector<1x16xf32> to vector<16xf32>
        %mul3A_248 = arith.constant 8.000000e+00 : f32
        %mul3A_249 = vector.broadcast %mul3A_248 : f32 to vector<16xf32>
        %mul3A_250 = arith.mulf %get3A_247, %mul3A_249 : vector<16xf32>
        %get3A_251 = arith.index_cast %scan3A_243 : i32 to index
        %get3A_252 = arith.constant 0 : index
        %get3A_253 = tpu.vector_load %arg7[%get3A_251, %get3A_252] {strides = array<i32>} : memref<200x64xf32, #tpu.memory_space<vmem>>, vector<1x16xf32>,
        %get3A_254 = vector.shape_cast %get3A_253 : vector<1x16xf32> to vector<16xf32>
        %add3A_255 = arith.addf %mul3A_250, %get3A_254 : vector<16xf32>
        %swap3A_256 = arith.index_cast %scan3A_243 : i32 to index
        %swap3A_257 = arith.constant 0 : index
        %swap3A_258 = tpu.vector_load %arg11[%swap3A_256, %swap3A_257] {strides = array<i32>} : memref<200x64xf32, #tpu.memory_space<vmem>>, vector<1x16xf32>,
        %swap3A_259 = vector.shape_cast %swap3A_258 : vector<1x16xf32> to vector<16xf32>
        %swap3A_260 = vector.shape_cast %add3A_255 : vector<16xf32> to vector<1x16xf32>
        tpu.vector_store %arg11[%swap3A_256, %swap3A_257], %swap3A_260 {strides = array<i32>} : memref<200x64xf32, #tpu.memory_space<vmem>>, vector<1x16xf32>,
        %get3A_261 = arith.index_cast %scan3A_243 : i32 to index
        %get3A_262 = arith.constant 16 : index
        %get3A_263 = tpu.vector_load %arg11[%get3A_261, %get3A_262] {strides = array<i32>} : memref<200x64xf32, #tpu.memory_space<vmem>>, vector<1x16xf32>,
        %get3A_264 = vector.shape_cast %get3A_263 : vector<1x16xf32> to vector<16xf32>
        %mul3A_265 = arith.constant 8.000000e+00 : f32
        %mul3A_266 = vector.broadcast %mul3A_265 : f32 to vector<16xf32>
        %mul3A_267 = arith.mulf %get3A_264, %mul3A_266 : vector<16xf32>
        %get3A_268 = arith.index_cast %scan3A_243 : i32 to index
        %get3A_269 = arith.constant 16 : index
        %get3A_270 = tpu.vector_load %arg7[%get3A_268, %get3A_269] {strides = array<i32>} : memref<200x64xf32, #tpu.memory_space<vmem>>, vector<1x16xf32>,
        %get3A_271 = vector.shape_cast %get3A_270 : vector<1x16xf32> to vector<16xf32>
        %add3A_272 = arith.addf %mul3A_267, %get3A_271 : vector<16xf32>
        %swap3A_273 = arith.index_cast %scan3A_243 : i32 to index
        %swap3A_274 = arith.constant 16 : index
        %swap3A_275 = tpu.vector_load %arg11[%swap3A_273, %swap3A_274] {strides = array<i32>} : memref<200x64xf32, #tpu.memory_space<vmem>>, vector<1x16xf32>,
        %swap3A_276 = vector.shape_cast %swap3A_275 : vector<1x16xf32> to vector<16xf32>
        %swap3A_277 = vector.shape_cast %add3A_272 : vector<16xf32> to vector<1x16xf32>
        tpu.vector_store %arg11[%swap3A_273, %swap3A_274], %swap3A_277 {strides = array<i32>} : memref<200x64xf32, #tpu.memory_space<vmem>>, vector<1x16xf32>,
        %get3A_278 = arith.index_cast %scan3A_243 : i32 to index
        %get3A_279 = arith.constant 32 : index
        %get3A_280 = tpu.vector_load %arg11[%get3A_278, %get3A_279] {strides = array<i32>} : memref<200x64xf32, #tpu.memory_space<vmem>>, vector<1x16xf32>,
        %get3A_281 = vector.shape_cast %get3A_280 : vector<1x16xf32> to vector<16xf32>
        %mul3A_282 = arith.constant 8.000000e+00 : f32
        %mul3A_283 = vector.broadcast %mul3A_282 : f32 to vector<16xf32>
        %mul3A_284 = arith.mulf %get3A_281, %mul3A_283 : vector<16xf32>
        %get3A_285 = arith.index_cast %scan3A_243 : i32 to index
        %get3A_286 = arith.constant 32 : index
        %get3A_287 = tpu.vector_load %arg7[%get3A_285, %get3A_286] {strides = array<i32>} : memref<200x64xf32, #tpu.memory_space<vmem>>, vector<1x16xf32>,
        %get3A_288 = vector.shape_cast %get3A_287 : vector<1x16xf32> to vector<16xf32>
        %add3A_289 = arith.addf %mul3A_284, %get3A_288 : vector<16xf32>
        %swap3A_290 = arith.index_cast %scan3A_243 : i32 to index
        %swap3A_291 = arith.constant 32 : index
        %swap3A_292 = tpu.vector_load %arg11[%swap3A_290, %swap3A_291] {strides = array<i32>} : memref<200x64xf32, #tpu.memory_space<vmem>>, vector<1x16xf32>,
        %swap3A_293 = vector.shape_cast %swap3A_292 : vector<1x16xf32> to vector<16xf32>
        %swap3A_294 = vector.shape_cast %add3A_289 : vector<16xf32> to vector<1x16xf32>
        tpu.vector_store %arg11[%swap3A_290, %swap3A_291], %swap3A_294 {strides = array<i32>} : memref<200x64xf32, #tpu.memory_space<vmem>>, vector<1x16xf32>,
        %get3A_295 = arith.index_cast %scan3A_243 : i32 to index
        %get3A_296 = arith.constant 48 : index
        %get3A_297 = tpu.vector_load %arg11[%get3A_295, %get3A_296] {strides = array<i32>} : memref<200x64xf32, #tpu.memory_space<vmem>>, vector<1x16xf32>,
        %get3A_298 = vector.shape_cast %get3A_297 : vector<1x16xf32> to vector<16xf32>
        %mul3A_299 = arith.constant 8.000000e+00 : f32
        %mul3A_300 = vector.broadcast %mul3A_299 : f32 to vector<16xf32>
        %mul3A_301 = arith.mulf %get3A_298, %mul3A_300 : vector<16xf32>
        %get3A_302 = arith.index_cast %scan3A_243 : i32 to index
        %get3A_303 = arith.constant 48 : index
        %get3A_304 = tpu.vector_load %arg7[%get3A_302, %get3A_303] {strides = array<i32>} : memref<200x64xf32, #tpu.memory_space<vmem>>, vector<1x16xf32>,
        %get3A_305 = vector.shape_cast %get3A_304 : vector<1x16xf32> to vector<16xf32>
        %add3A_306 = arith.addf %mul3A_301, %get3A_305 : vector<16xf32>
        %swap3A_307 = arith.index_cast %scan3A_243 : i32 to index
        %swap3A_308 = arith.constant 48 : index
        %swap3A_309 = tpu.vector_load %arg11[%swap3A_307, %swap3A_308] {strides = array<i32>} : memref<200x64xf32, #tpu.memory_space<vmem>>, vector<1x16xf32>,
        %swap3A_310 = vector.shape_cast %swap3A_309 : vector<1x16xf32> to vector<16xf32>
        %swap3A_311 = vector.shape_cast %add3A_306 : vector<16xf32> to vector<1x16xf32>
        tpu.vector_store %arg11[%swap3A_307, %swap3A_308], %swap3A_311 {strides = array<i32>} : memref<200x64xf32, #tpu.memory_space<vmem>>, vector<1x16xf32>,
        %scan3A_312 = arith.constant 2 : i32
        %scan3A_313 = arith.addi %scan3A_175, %scan3A_312 : i32
        %get3A_314 = arith.index_cast %scan3A_313 : i32 to index
        %get3A_315 = arith.constant 0 : index
        %get3A_316 = tpu.vector_load %arg11[%get3A_314, %get3A_315] {strides = array<i32>} : memref<200x64xf32, #tpu.memory_space<vmem>>, vector<1x16xf32>,
        %get3A_317 = vector.shape_cast %get3A_316 : vector<1x16xf32> to vector<16xf32>
        %mul3A_318 = arith.constant 8.000000e+00 : f32
        %mul3A_319 = vector.broadcast %mul3A_318 : f32 to vector<16xf32>
        %mul3A_320 = arith.mulf %get3A_317, %mul3A_319 : vector<16xf32>
        %get3A_321 = arith.index_cast %scan3A_313 : i32 to index
        %get3A_322 = arith.constant 0 : index
        %get3A_323 = tpu.vector_load %arg7[%get3A_321, %get3A_322] {strides = array<i32>} : memref<200x64xf32, #tpu.memory_space<vmem>>, vector<1x16xf32>,
        %get3A_324 = vector.shape_cast %get3A_323 : vector<1x16xf32> to vector<16xf32>
        %add3A_325 = arith.addf %mul3A_320, %get3A_324 : vector<16xf32>
        %swap3A_326 = arith.index_cast %scan3A_313 : i32 to index
        %swap3A_327 = arith.constant 0 : index
        %swap3A_328 = tpu.vector_load %arg11[%swap3A_326, %swap3A_327] {strides = array<i32>} : memref<200x64xf32, #tpu.memory_space<vmem>>, vector<1x16xf32>,
        %swap3A_329 = vector.shape_cast %swap3A_328 : vector<1x16xf32> to vector<16xf32>
        %swap3A_330 = vector.shape_cast %add3A_325 : vector<16xf32> to vector<1x16xf32>
        tpu.vector_store %arg11[%swap3A_326, %swap3A_327], %swap3A_330 {strides = array<i32>} : memref<200x64xf32, #tpu.memory_space<vmem>>, vector<1x16xf32>,
        %get3A_331 = arith.index_cast %scan3A_313 : i32 to index
        %get3A_332 = arith.constant 16 : index
        %get3A_333 = tpu.vector_load %arg11[%get3A_331, %get3A_332] {strides = array<i32>} : memref<200x64xf32, #tpu.memory_space<vmem>>, vector<1x16xf32>,
        %get3A_334 = vector.shape_cast %get3A_333 : vector<1x16xf32> to vector<16xf32>
        %mul3A_335 = arith.constant 8.000000e+00 : f32
        %mul3A_336 = vector.broadcast %mul3A_335 : f32 to vector<16xf32>
        %mul3A_337 = arith.mulf %get3A_334, %mul3A_336 : vector<16xf32>
        %get3A_338 = arith.index_cast %scan3A_313 : i32 to index
        %get3A_339 = arith.constant 16 : index
        %get3A_340 = tpu.vector_load %arg7[%get3A_338, %get3A_339] {strides = array<i32>} : memref<200x64xf32, #tpu.memory_space<vmem>>, vector<1x16xf32>,
        %get3A_341 = vector.shape_cast %get3A_340 : vector<1x16xf32> to vector<16xf32>
        %add3A_342 = arith.addf %mul3A_337, %get3A_341 : vector<16xf32>
        %swap3A_343 = arith.index_cast %scan3A_313 : i32 to index
        %swap3A_344 = arith.constant 16 : index
        %swap3A_345 = tpu.vector_load %arg11[%swap3A_343, %swap3A_344] {strides = array<i32>} : memref<200x64xf32, #tpu.memory_space<vmem>>, vector<1x16xf32>,
        %swap3A_346 = vector.shape_cast %swap3A_345 : vector<1x16xf32> to vector<16xf32>
        %swap3A_347 = vector.shape_cast %add3A_342 : vector<16xf32> to vector<1x16xf32>
        tpu.vector_store %arg11[%swap3A_343, %swap3A_344], %swap3A_347 {strides = array<i32>} : memref<200x64xf32, #tpu.memory_space<vmem>>, vector<1x16xf32>,
        %get3A_348 = arith.index_cast %scan3A_313 : i32 to index
        %get3A_349 = arith.constant 32 : index
        %get3A_350 = tpu.vector_load %arg11[%get3A_348, %get3A_349] {strides = array<i32>} : memref<200x64xf32, #tpu.memory_space<vmem>>, vector<1x16xf32>,
        %get3A_351 = vector.shape_cast %get3A_350 : vector<1x16xf32> to vector<16xf32>
        %mul3A_352 = arith.constant 8.000000e+00 : f32
        %mul3A_353 = vector.broadcast %mul3A_352 : f32 to vector<16xf32>
        %mul3A_354 = arith.mulf %get3A_351, %mul3A_353 : vector<16xf32>
        %get3A_355 = arith.index_cast %scan3A_313 : i32 to index
        %get3A_356 = arith.constant 32 : index
        %get3A_357 = tpu.vector_load %arg7[%get3A_355, %get3A_356] {strides = array<i32>} : memref<200x64xf32, #tpu.memory_space<vmem>>, vector<1x16xf32>,
        %get3A_358 = vector.shape_cast %get3A_357 : vector<1x16xf32> to vector<16xf32>
        %add3A_359 = arith.addf %mul3A_354, %get3A_358 : vector<16xf32>
        %swap3A_360 = arith.index_cast %scan3A_313 : i32 to index
        %swap3A_361 = arith.constant 32 : index
        %swap3A_362 = tpu.vector_load %arg11[%swap3A_360, %swap3A_361] {strides = array<i32>} : memref<200x64xf32, #tpu.memory_space<vmem>>, vector<1x16xf32>,
        %swap3A_363 = vector.shape_cast %swap3A_362 : vector<1x16xf32> to vector<16xf32>
        %swap3A_364 = vector.shape_cast %add3A_359 : vector<16xf32> to vector<1x16xf32>
        tpu.vector_store %arg11[%swap3A_360, %swap3A_361], %swap3A_364 {strides = array<i32>} : memref<200x64xf32, #tpu.memory_space<vmem>>, vector<1x16xf32>,
        %get3A_365 = arith.index_cast %scan3A_313 : i32 to index
        %get3A_366 = arith.constant 48 : index
        %get3A_367 = tpu.vector_load %arg11[%get3A_365, %get3A_366] {strides = array<i32>} : memref<200x64xf32, #tpu.memory_space<vmem>>, vector<1x16xf32>,
        %get3A_368 = vector.shape_cast %get3A_367 : vector<1x16xf32> to vector<16xf32>
        %mul3A_369 = arith.constant 8.000000e+00 : f32
        %mul3A_370 = vector.broadcast %mul3A_369 : f32 to vector<16xf32>
        %mul3A_371 = arith.mulf %get3A_368, %mul3A_370 : vector<16xf32>
        %get3A_372 = arith.index_cast %scan3A_313 : i32 to index
        %get3A_373 = arith.constant 48 : index
        %get3A_374 = tpu.vector_load %arg7[%get3A_372, %get3A_373] {strides = array<i32>} : memref<200x64xf32, #tpu.memory_space<vmem>>, vector<1x16xf32>,
        %get3A_375 = vector.shape_cast %get3A_374 : vector<1x16xf32> to vector<16xf32>
        %add3A_376 = arith.addf %mul3A_371, %get3A_375 : vector<16xf32>
        %swap3A_377 = arith.index_cast %scan3A_313 : i32 to index
        %swap3A_378 = arith.constant 48 : index
        %swap3A_379 = tpu.vector_load %arg11[%swap3A_377, %swap3A_378] {strides = array<i32>} : memref<200x64xf32, #tpu.memory_space<vmem>>, vector<1x16xf32>,
        %swap3A_380 = vector.shape_cast %swap3A_379 : vector<1x16xf32> to vector<16xf32>
        %swap3A_381 = vector.shape_cast %add3A_376 : vector<16xf32> to vector<1x16xf32>
        tpu.vector_store %arg11[%swap3A_377, %swap3A_378], %swap3A_381 {strides = array<i32>} : memref<200x64xf32, #tpu.memory_space<vmem>>, vector<1x16xf32>,
        %scan3A_382 = arith.constant 3 : i32
        %scan3A_383 = arith.addi %scan3A_175, %scan3A_382 : i32
        %get3A_384 = arith.index_cast %scan3A_383 : i32 to index
        %get3A_385 = arith.constant 0 : index
        %get3A_386 = tpu.vector_load %arg11[%get3A_384, %get3A_385] {strides = array<i32>} : memref<200x64xf32, #tpu.memory_space<vmem>>, vector<1x16xf32>,
        %get3A_387 = vector.shape_cast %get3A_386 : vector<1x16xf32> to vector<16xf32>
        %mul3A_388 = arith.constant 8.000000e+00 : f32
        %mul3A_389 = vector.broadcast %mul3A_388 : f32 to vector<16xf32>
        %mul3A_390 = arith.mulf %get3A_387, %mul3A_389 : vector<16xf32>
        %get3A_391 = arith.index_cast %scan3A_383 : i32 to index
        %get3A_392 = arith.constant 0 : index
        %get3A_393 = tpu.vector_load %arg7[%get3A_391, %get3A_392] {strides = array<i32>} : memref<200x64xf32, #tpu.memory_space<vmem>>, vector<1x16xf32>,
        %get3A_394 = vector.shape_cast %get3A_393 : vector<1x16xf32> to vector<16xf32>
        %add3A_395 = arith.addf %mul3A_390, %get3A_394 : vector<16xf32>
        %swap3A_396 = arith.index_cast %scan3A_383 : i32 to index
        %swap3A_397 = arith.constant 0 : index
        %swap3A_398 = tpu.vector_load %arg11[%swap3A_396, %swap3A_397] {strides = array<i32>} : memref<200x64xf32, #tpu.memory_space<vmem>>, vector<1x16xf32>,
        %swap3A_399 = vector.shape_cast %swap3A_398 : vector<1x16xf32> to vector<16xf32>
        %swap3A_400 = vector.shape_cast %add3A_395 : vector<16xf32> to vector<1x16xf32>
        tpu.vector_store %arg11[%swap3A_396, %swap3A_397], %swap3A_400 {strides = array<i32>} : memref<200x64xf32, #tpu.memory_space<vmem>>, vector<1x16xf32>,
        %get3A_401 = arith.index_cast %scan3A_383 : i32 to index
        %get3A_402 = arith.constant 16 : index
        %get3A_403 = tpu.vector_load %arg11[%get3A_401, %get3A_402] {strides = array<i32>} : memref<200x64xf32, #tpu.memory_space<vmem>>, vector<1x16xf32>,
        %get3A_404 = vector.shape_cast %get3A_403 : vector<1x16xf32> to vector<16xf32>
        %mul3A_405 = arith.constant 8.000000e+00 : f32
        %mul3A_406 = vector.broadcast %mul3A_405 : f32 to vector<16xf32>
        %mul3A_407 = arith.mulf %get3A_404, %mul3A_406 : vector<16xf32>
        %get3A_408 = arith.index_cast %scan3A_383 : i32 to index
        %get3A_409 = arith.constant 16 : index
        %get3A_410 = tpu.vector_load %arg7[%get3A_408, %get3A_409] {strides = array<i32>} : memref<200x64xf32, #tpu.memory_space<vmem>>, vector<1x16xf32>,
        %get3A_411 = vector.shape_cast %get3A_410 : vector<1x16xf32> to vector<16xf32>
        %add3A_412 = arith.addf %mul3A_407, %get3A_411 : vector<16xf32>
        %swap3A_413 = arith.index_cast %scan3A_383 : i32 to index
        %swap3A_414 = arith.constant 16 : index
        %swap3A_415 = tpu.vector_load %arg11[%swap3A_413, %swap3A_414] {strides = array<i32>} : memref<200x64xf32, #tpu.memory_space<vmem>>, vector<1x16xf32>,
        %swap3A_416 = vector.shape_cast %swap3A_415 : vector<1x16xf32> to vector<16xf32>
        %swap3A_417 = vector.shape_cast %add3A_412 : vector<16xf32> to vector<1x16xf32>
        tpu.vector_store %arg11[%swap3A_413, %swap3A_414], %swap3A_417 {strides = array<i32>} : memref<200x64xf32, #tpu.memory_space<vmem>>, vector<1x16xf32>,
        %get3A_418 = arith.index_cast %scan3A_383 : i32 to index
        %get3A_419 = arith.constant 32 : index
        %get3A_420 = tpu.vector_load %arg11[%get3A_418, %get3A_419] {strides = array<i32>} : memref<200x64xf32, #tpu.memory_space<vmem>>, vector<1x16xf32>,
        %get3A_421 = vector.shape_cast %get3A_420 : vector<1x16xf32> to vector<16xf32>
        %mul3A_422 = arith.constant 8.000000e+00 : f32
        %mul3A_423 = vector.broadcast %mul3A_422 : f32 to vector<16xf32>
        %mul3A_424 = arith.mulf %get3A_421, %mul3A_423 : vector<16xf32>
        %get3A_425 = arith.index_cast %scan3A_383 : i32 to index
        %get3A_426 = arith.constant 32 : index
        %get3A_427 = tpu.vector_load %arg7[%get3A_425, %get3A_426] {strides = array<i32>} : memref<200x64xf32, #tpu.memory_space<vmem>>, vector<1x16xf32>,
        %get3A_428 = vector.shape_cast %get3A_427 : vector<1x16xf32> to vector<16xf32>
        %add3A_429 = arith.addf %mul3A_424, %get3A_428 : vector<16xf32>
        %swap3A_430 = arith.index_cast %scan3A_383 : i32 to index
        %swap3A_431 = arith.constant 32 : index
        %swap3A_432 = tpu.vector_load %arg11[%swap3A_430, %swap3A_431] {strides = array<i32>} : memref<200x64xf32, #tpu.memory_space<vmem>>, vector<1x16xf32>,
        %swap3A_433 = vector.shape_cast %swap3A_432 : vector<1x16xf32> to vector<16xf32>
        %swap3A_434 = vector.shape_cast %add3A_429 : vector<16xf32> to vector<1x16xf32>
        tpu.vector_store %arg11[%swap3A_430, %swap3A_431], %swap3A_434 {strides = array<i32>} : memref<200x64xf32, #tpu.memory_space<vmem>>, vector<1x16xf32>,
        %get3A_435 = arith.index_cast %scan3A_383 : i32 to index
        %get3A_436 = arith.constant 48 : index
        %get3A_437 = tpu.vector_load %arg11[%get3A_435, %get3A_436] {strides = array<i32>} : memref<200x64xf32, #tpu.memory_space<vmem>>, vector<1x16xf32>,
        %get3A_438 = vector.shape_cast %get3A_437 : vector<1x16xf32> to vector<16xf32>
        %mul3A_439 = arith.constant 8.000000e+00 : f32
        %mul3A_440 = vector.broadcast %mul3A_439 : f32 to vector<16xf32>
        %mul3A_441 = arith.mulf %get3A_438, %mul3A_440 : vector<16xf32>
        %get3A_442 = arith.index_cast %scan3A_383 : i32 to index
        %get3A_443 = arith.constant 48 : index
        %get3A_444 = tpu.vector_load %arg7[%get3A_442, %get3A_443] {strides = array<i32>} : memref<200x64xf32, #tpu.memory_space<vmem>>, vector<1x16xf32>,
        %get3A_445 = vector.shape_cast %get3A_444 : vector<1x16xf32> to vector<16xf32>
        %add3A_446 = arith.addf %mul3A_441, %get3A_445 : vector<16xf32>
        %swap3A_447 = arith.index_cast %scan3A_383 : i32 to index
        %swap3A_448 = arith.constant 48 : index
        %swap3A_449 = tpu.vector_load %arg11[%swap3A_447, %swap3A_448] {strides = array<i32>} : memref<200x64xf32, #tpu.memory_space<vmem>>, vector<1x16xf32>,
        %swap3A_450 = vector.shape_cast %swap3A_449 : vector<1x16xf32> to vector<16xf32>
        %swap3A_451 = vector.shape_cast %add3A_446 : vector<16xf32> to vector<1x16xf32>
        tpu.vector_store %arg11[%swap3A_447, %swap3A_448], %swap3A_451 {strides = array<i32>} : memref<200x64xf32, #tpu.memory_space<vmem>>, vector<1x16xf32>,
      }
      %scan3A_153 = arith.constant 200 : i32
      %add3A_154 = arith.addi %mul3A_2, %add3A_141 : i32
      %dma_start3A_155 = arith.constant 0 : i32
      %dma_start3A_156 = arith.constant 0 : i32
      %dma_start3A_157 = tpu.memref_slice %arg5[%add3A_154, %dma_start3A_155, %dma_start3A_156] : memref<4096x200x64xf32, #tpu.memory_space<hbm>> -> memref<1x200x64xf32, #tpu.memory_space<hbm>>
      %dma_start3A_158 = tpu.memref_squeeze %dma_start3A_157 : memref<1x200x64xf32, #tpu.memory_space<hbm>> -> memref<200x64xf32, #tpu.memory_space<hbm>>
      %dma_start3A_159 = arith.constant 0 : i32
      %dma_start3A_160 = arith.constant 0 : i32
      %dma_start3A_161 = tpu.memref_slice %arg5[%add3A_154, %dma_start3A_159, %dma_start3A_160] : memref<4096x200x64xf32, #tpu.memory_space<hbm>> -> memref<1x200x64xf32, #tpu.memory_space<hbm>>
      %dma_start3A_162 = tpu.memref_squeeze %dma_start3A_161 : memref<1x200x64xf32, #tpu.memory_space<hbm>> -> memref<200x64xf32, #tpu.memory_space<hbm>>
      tpu.enqueue_dma source(%arg11 : memref<200x64xf32, #tpu.memory_space<vmem>>) target(%dma_start3A_162 : memref<200x64xf32, #tpu.memory_space<hbm>>) target_semaphore(%arg19 : memref<!tpu.dma_semaphore, #tpu.memory_space<semaphore_mem>>)
      %ge3A_163 = arith.constant 1 : i32
      %ge3A_164 = arith.cmpi sge, %add3A_141, %ge3A_163 : i32
      %convert_element_type3A_165 = arith.extui %ge3A_164 : i1 to i32
      %cond3A_166 = arith.constant 0 : i32
      %cond3A_167 = arith.cmpi ne, %convert_element_type3A_165, %cond3A_166 : i32
      scf.if %cond3A_167 {
        %sub3A = arith.constant 1 : i32
        %sub3A_175 = arith.subi %add3A_141, %sub3A : i32
        %add3A_176 = arith.addi %mul3A_2, %sub3A_175 : i32
        %dma_wait3A_177 = arith.constant 0 : i32
        %dma_wait3A_178 = arith.constant 0 : i32
        %dma_wait3A_179 = tpu.memref_slice %arg5[%add3A_176, %dma_wait3A_177, %dma_wait3A_178] : memref<4096x200x64xf32, #tpu.memory_space<hbm>> -> memref<1x200x64xf32, #tpu.memory_space<hbm>>
        %dma_wait3A_180 = tpu.memref_squeeze %dma_wait3A_179 : memref<1x200x64xf32, #tpu.memory_space<hbm>> -> memref<200x64xf32, #tpu.memory_space<hbm>>
        %dma_wait3A_181 = arith.constant 0 : i32
        %dma_wait3A_182 = arith.constant 0 : i32
        %dma_wait3A_183 = tpu.memref_slice %arg5[%add3A_176, %dma_wait3A_181, %dma_wait3A_182] : memref<4096x200x64xf32, #tpu.memory_space<hbm>> -> memref<1x200x64xf32, #tpu.memory_space<hbm>>
        %dma_wait3A_184 = tpu.memref_squeeze %dma_wait3A_183 : memref<1x200x64xf32, #tpu.memory_space<hbm>> -> memref<200x64xf32, #tpu.memory_space<hbm>>
        tpu.wait_dma2 semaphore(%arg18 : memref<!tpu.dma_semaphore, #tpu.memory_space<semaphore_mem>>) src(%arg10 : memref<200x64xf32, #tpu.memory_space<vmem>>) dst(%dma_wait3A_184 : memref<200x64xf32, #tpu.memory_space<hbm>>)
      } else {
      }
      %add3A_168 = arith.constant 2 : i32
      %add3A_169 = arith.addi %add3A_141, %add3A_168 : i32
      %lt3A_170 = arith.constant 128 : i32
      %lt3A_171 = arith.cmpi slt, %add3A_169, %lt3A_170 : i32
      %convert_element_type3A_172 = arith.extui %lt3A_171 : i1 to i32
      %cond3A_173 = arith.constant 0 : i32
      %cond3A_174 = arith.cmpi ne, %convert_element_type3A_172, %cond3A_173 : i32
      scf.if %cond3A_174 {
        %dma_start3A_175 = arith.constant 0 : i32
        %dma_start3A_176 = tpu.memref_slice %arg6[%add3A_169, %dma_start3A_175] : memref<128x200xi32, #tpu.memory_space<vmem>> -> memref<1x200xi32, #tpu.memory_space<vmem>>
        %dma_start3A_177 = tpu.memref_squeeze %dma_start3A_176 : memref<1x200xi32, #tpu.memory_space<vmem>> -> memref<200xi32, #tpu.memory_space<vmem>>
        %dma_start3A_178 = arith.constant 0 : i32
        %dma_start3A_179 = arith.constant 0 : i32
        %dma_start3A_180 = tpu.memref_slice %arg3[%dma_start3A_178, %dma_start3A_179] : memref<1000001x64xf32, #tpu.memory_space<hbm>> -> memref<1000001x64xf32, #tpu.memory_space<hbm>>
        tpu.enqueue_indirect_dma source(%dma_start3A_180 : memref<1000001x64xf32, #tpu.memory_space<hbm>>) target(%arg9 : memref<200x64xf32, #tpu.memory_space<vmem>>) offsets(%dma_start3A_177 : memref<200xi32, #tpu.memory_space<vmem>>) semaphore(%arg13 : memref<!tpu.dma_semaphore, #tpu.memory_space<semaphore_mem>>)
      } else {
      }
    }
    %scan3A_20 = arith.constant 32 : i32
    %add3A_21 = arith.constant 127 : i32
    %add3A_22 = arith.addi %mul3A_2, %add3A_21 : i32
    %dma_wait3A = arith.constant 0 : i32
    %dma_wait3A_23 = arith.constant 0 : i32
    %dma_wait3A_24 = tpu.memref_slice %arg5[%add3A_22, %dma_wait3A, %dma_wait3A_23] : memref<4096x200x64xf32, #tpu.memory_space<hbm>> -> memref<1x200x64xf32, #tpu.memory_space<hbm>>
    %dma_wait3A_25 = tpu.memref_squeeze %dma_wait3A_24 : memref<1x200x64xf32, #tpu.memory_space<hbm>> -> memref<200x64xf32, #tpu.memory_space<hbm>>
    %dma_wait3A_26 = arith.constant 0 : i32
    %dma_wait3A_27 = arith.constant 0 : i32
    %dma_wait3A_28 = tpu.memref_slice %arg5[%add3A_22, %dma_wait3A_26, %dma_wait3A_27] : memref<4096x200x64xf32, #tpu.memory_space<hbm>> -> memref<1x200x64xf32, #tpu.memory_space<hbm>>
    %dma_wait3A_29 = tpu.memref_squeeze %dma_wait3A_28 : memref<1x200x64xf32, #tpu.memory_space<hbm>> -> memref<200x64xf32, #tpu.memory_space<hbm>>
    tpu.wait_dma2 semaphore(%arg19 : memref<!tpu.dma_semaphore, #tpu.memory_space<semaphore_mem>>) src(%arg11 : memref<200x64xf32, #tpu.memory_space<vmem>>) dst(%dma_wait3A_29 : memref<200x64xf32, #tpu.memory_space<hbm>>)
    return
  }
}

</mosaic_0001>

<sc_bundles>
// kernel: kernel.3.cloned.1.call-start
scs
__scs_entry_jumppad:
0x0: {  	(pc) =	sbr.rel $0x88, $3  }
0x1: {  	(tag) =	ssettag $0x0;
	lr =	simm.s32 $0x1  }
0x2: {  	[smem:$0x3F9E] =	sst lr;
	_ =	strace $0xD0000000  }
0x3: {  	_ = 	snop  }
0x4: {  	_ = 	snop  }
0x5: {  	_ = 	snop  }
0x6: {  	_ = 	snop  }
0x7: {  	_ = 	snop  }
__scs_overlays_trampoline_lowered:
0x8: {  	[smem:$0x3FAD] =	sst s0  }
0x9: {  	[smem:$0x3FAE] =	sst s1  }
0xa: {  	[smem:$0x3FAF] =	sst s2  }
0xb: {  	[smem:$0x3FB0] =	sst s3  }
0xc: {  	[smem:$0x3FB1] =	sst s4  }
0xd: {  	[smem:$0x3FB2] =	sst s5  }
0xe: {  	[smem:$0x3FB3] =	sst s6  }
0xf: {  	[smem:$0x3FB4] =	sst s7  }
0x10: {  	[smem:$0x3FB5] =	sst s8  }
0x11: {  	[smem:$0x3FB6] =	sst s9;
	s0 =	simm.s32 @!p0 $0x0  }
0x12: {  	s1 =	sld [smem:$0x3F9C];
	s0 =	simm.s32 @p0 $0x1  }
0x13: {  	[smem:$0x3FB7] =	sst s0;
	s0 =	simm.s32 @!p1 $0x0  }
0x14: {  	s2 =	sld [smem:$0x3F9B];
	s0 =	simm.s32 @p1 $0x1  }
0x15: {  	[smem:$0x3FB8] =	sst s0;
	s0 =	simm.s32 @!p2 $0x0  }
0x16: {  	s3 =	sld [smem:$0x3FDB];
	s0 =	simm.s32 @p2 $0x1  }
0x17: {  	s4 =	simm.s32 $0x1BF5;
	[smem:$0x3FBA] =	sst s0  }
0x18: {  	s0 =	sld [smem:$0x3F9D];
	_ =	swait.ge [sflag:s4], $0x0  }
0x19: {  	s7 =	sld [smem:$0x3F9E]  }
0x1a: {  	s8 =	sadd.s32 $0xFFFFE003, lr  }
0x1b: {  	s9 =	sadd.s32 $0xFFFFFEF7, lr;
	s5 =	simm.s32 $0xFFFFFFFF;
	p2 =	slt.u32 s8, $0xFFFFF086  }
0x1c: {  	p1 =	slt.u32 s9, $0xF7A;
	s5 =	simm.s32 @!p2 $0x0  }
0x1d: {  	s5 =	simm.s32 @p1 $0x1;
	p0 =	seq.s32 s7, s2  }
0x1e: {  	s7 =	smul.u32 @!p0 $0xF7A, s2;
	p2 =	seq.s32 @!p0 s5, $0x0  }
0x1f: {  	s9 =	smul.u32 $0xF7A, s1;
	s8 =	simm.s32 @!p0 $0x1BF5;
	p2 =	por !p2, p0  }
0x20: {  	[sflag:s8] =	ssyncset.s32 @!p0 $0xFFFFF086;
	s6 =	sadd.s32 @!p0 s3, s7;
	s7 =	simm.s32 @!p0 $0x108  }
0x21: {  	s3 =	sadd.s32 s3, s9;
	s6 =	sadd.s32 @!p0 $0x88, s6;
	s7 =	simm.s32 @p2 $0x1082  }
0x22: {  	[simem:s7], [sflag:s8] =	dma.local @!p0 [hbm:s6], $0xF7A  }
0x23: {  	s9 =	sor.u32 $0xD0000000, s2;
	s6 =	simm.s32 $0x108;
	_ =	swait.ge @!p0 [sflag:s8], $0x0  }
0x24: {  	s3 =	sadd.s32 $0x88, s3;
	s6 =	simm.s32 @!p1 $0x1082;
	[sflag:s4] =	ssyncset.s32 $0xFFFFF086  }
0x25: {  	[simem:s6], [sflag:s4] =	dma.local [hbm:s3], $0xF7A  }
0x26: {  	[smem:$0x3F9E] =	sst s1;
	(tag) =	ssettag s2;
	_ =	strace s9  }
0x27: {  	s1 =	sld [smem:$0x3FAE]  }
0x28: {  	s2 =	sld [smem:$0x3FAF]  }
0x29: {  	s4 =	sld [smem:$0x3FB1]  }
0x2a: {  	p0 =	seq.s32 s5, $0x0;
	s5 =	sld [smem:$0x3FB2]  }
0x2b: {  	s6 =	sld [smem:$0x3FB3]  }
0x2c: {  	s7 =	sld [smem:$0x3FB4]  }
0x2d: {  	s3 =	simm.s32 $0x108;
	s8 =	sld [smem:$0x3FB5]  }
0x2e: {  	s3 =	simm.s32 @!p0 $0x1082;
	s9 =	sld [smem:$0x3FB6]  }
0x2f: {  	lr =	sadd.s32 s0, s3;
	s0 =	sld [smem:$0x3FAD]  }
0x30: {  	s3 =	sld [smem:$0x3FB0]  }
0x31: {  	[smem:$0x3FB9] =	sst s10  }
0x32: {  	s10 =	sld [smem:$0x3FB7];
	_ =	sdelay $0x3  }
0x33: {  	p0 =	seq.s32 s10, $0x1;
	s10 =	sld [smem:$0x3FB9];
	_ =	sdelay $0x3  }
0x34: {  	[smem:$0x3FB9] =	sst s10  }
0x35: {  	s10 =	sld [smem:$0x3FB8];
	_ =	sdelay $0x3  }
0x36: {  	p1 =	seq.s32 s10, $0x1;
	s10 =	sld [smem:$0x3FB9];
	_ =	sdelay $0x3  }
0x37: {  	[smem:$0x3FB9] =	sst s10  }
0x38: {  	s10 =	sld [smem:$0x3FBA]  }
0x39: {  	_ = 	snop;
	(pc) =	sbr.ind lr, $3  }
0x3a: {  	_ = 	snop  }
0x3b: {  	_ = 	snop  }
0x3c: {  	p2 =	seq.s32 s10, $0x1;
	s10 =	sld [smem:$0x3FB9]  }
0x3d: {  	_ =	shalt  }
0x3e: {  	_ =	shalt  }
0x3f: {  	_ =	shalt  }
0x40: {  	_ =	shalt  }
0x41: {  	_ =	shalt  }
0x42: {  	_ =	shalt  }
0x43: {  	_ =	shalt  }
0x44: {  	_ =	shalt  }
0x45: {  	_ =	shalt  }
0x46: {  	_ =	shalt  }
0x47: {  	_ =	shalt  }
0x48: {  	_ =	shalt  }
0x49: {  	_ =	shalt  }
0x4a: {  	_ =	shalt  }
0x4b: {  	_ =	shalt  }
0x4c: {  	_ =	shalt  }
0x4d: {  	_ =	shalt  }
0x4e: {  	_ =	shalt  }
0x4f: {  	_ =	shalt  }
0x50: {  	_ =	shalt  }
0x51: {  	_ =	shalt  }
0x52: {  	_ =	shalt  }
0x53: {  	_ =	shalt  }
0x54: {  	_ =	shalt  }
0x55: {  	_ =	shalt  }
0x56: {  	_ =	shalt  }
0x57: {  	_ =	shalt  }
0x58: {  	_ =	shalt  }
0x59: {  	_ =	shalt  }
0x5a: {  	_ =	shalt  }
0x5b: {  	_ =	shalt  }
0x5c: {  	_ =	shalt  }
0x5d: {  	_ =	shalt  }
0x5e: {  	_ =	shalt  }
0x5f: {  	_ =	shalt  }
0x60: {  	_ =	shalt  }
0x61: {  	_ =	shalt  }
0x62: {  	_ =	shalt  }
0x63: {  	_ =	shalt  }
0x64: {  	_ =	shalt  }
0x65: {  	_ =	shalt  }
0x66: {  	_ =	shalt  }
0x67: {  	_ =	shalt  }
0x68: {  	_ =	shalt  }
0x69: {  	_ =	shalt  }
0x6a: {  	_ =	shalt  }
0x6b: {  	_ =	shalt  }
0x6c: {  	_ =	shalt  }
0x6d: {  	_ =	shalt  }
0x6e: {  	_ =	shalt  }
0x6f: {  	_ =	shalt  }
0x70: {  	_ =	shalt  }
0x71: {  	_ =	shalt  }
0x72: {  	_ =	shalt  }
0x73: {  	_ =	shalt  }
0x74: {  	_ =	shalt  }
0x75: {  	_ =	shalt  }
0x76: {  	_ =	shalt  }
0x77: {  	_ =	shalt  }
0x78: {  	_ =	shalt  }
0x79: {  	_ =	shalt  }
0x7a: {  	_ =	shalt  }
0x7b: {  	_ =	shalt  }
0x7c: {  	_ =	shalt  }
0x7d: {  	_ =	shalt  }
0x7e: {  	_ =	shalt  }
0x7f: {  	_ =	shalt  }
0x80: {  	_ =	shalt  }
0x81: {  	_ =	shalt  }
0x82: {  	_ =	shalt  }
0x83: {  	_ =	shalt  }
0x84: {  	_ =	shalt  }
0x85: {  	_ =	shalt  }
0x86: {  	_ =	shalt  }
0x87: {  	_ =	shalt  }
.Lfunc_end0:
.L_simem_size_0:
called_computation.1_lowered:
.L_overlay_start_0:
0x88: {  	s2 =	sld [smem:$0x3FD9]  }
0x89: {  	s3 =	sld [smem:$0x3FFE];
	_ =	sdelay $0x1  }
0x8a: {  	s1 =	srdreg.scid  }
0x8b: {  	s0 =	sand.u32 $0x1, s1  }
0x8c: {  	s17 =	sshll.u32 s0, $0xA;
	s2 =	sadd.s32 s3, s2  }
0x8d: {  	s2 =	sadd.s32 s2, s17  }
0x8e: {  	[smem:$0x3FC5] =	sst s2  }
0x8f: {  	_ = 	snop  }
0x90: {  	s2 =	sld [smem:$0x3FD0];
	(tm) =	ssettm $0x1  }
0x91: {  	s18 =	sld [smem:$0x3FFB];
	_ =	sdelay $0x3  }
0x92: {  	_ =	strace s18  }
0x93: {  	s3 =	sld [smem:$0x3FFC];
	_ =	sdelay $0x3  }
0x94: {  	_ =	strace s3  }
0x95: {  	s3 =	sld [smem:$0x3FFD];
	_ =	sdelay $0x3  }
0x96: {  	_ =	strace s3  }
0x97: {  	_ =	strace $0x8FFFFFFF  }
0x98: {  	s19 =	sld [smem:$0x3FDB];
	_ =	sdelay $0x1  }
0x99: {  	s4 =	simm.s32 $_scs_section_size  }
0x9a: {  	s5 =	simm.s32 $_size__tile_overlayer_lowered;
	s6 =	simm.s32 $_tile_overlayer_lowered  }
0x9b: {  	s22 =	simm.s32 $0x1BFF;
	s21 =	sshll.u32 s6, $0x1;
	s3 =	sadd.s32 s4, s19  }
0x9c: {  	s7 =	simm.s32 $0x0;
	s20 =	sshll.u32 s5, $0x1;
	s5 =	sadd.s32 s21, s3  }
0x9d: {  	[timem:s7], [sflag:s22] =	dma.local [hbm:s5], s20  }
0x9e: {  	_ =	swait.ge [sflag:s22], s20  }
0x9f: {  	s4 =	ssub.s32 $0x0, s20;
	[sflag:s22] =	ssyncset.done $0x0  }
0xa0: {  	[sflag:s22] =	ssyncadd.s32 s4;
	_ =	sdelay $0x1  }
0xa1: {  	s23 =	simm.s32 $0x1B8B  }
0xa2: {  	_ =	swait.ge [sflag:s23], $0x1  }
0xa3: {  	[sflag:s23] =	ssyncset.done $0x0  }
0xa4: {  	s25 =	simm.s32 $0x1B8E;
	s24 =	sld [smem:$0x3FFE];
	[sflag:s23] =	ssyncadd.s32 $0xFFFFFFFF  }
0xa5: {  	s26 =	simm.s32 $execute0_lowered;
	[smem:$0x3FD2] =	sst s25  }
0xa6: {  	s5 =	sshll.u32 s26, $0x1;
	_ =	strace $0x80000046;
	[dreg:$0x1] =	wrdreg $0xFFFFFFFF  }
0xa7: {  	s28 =	simm.s32 $_size_execute0_lowered;
	s3 =	sadd.s32 s3, s5;
	[dreg:$0x0] =	wrdreg $0x0  }
0xa8: {  	s5 =	sshll.u32 s28, $0x1;
	[dreg:$0x2] =	wrdreg s3  }
0xa9: {  	[dreg:$0x3] =	wrdreg s5  }
0xaa: {  	[dreg:$0x4] =	wrdreg $0xC0  }
0xab: {  	_ =	task [dreg:s7], $0x5FFFF  }
0xac: {  	[dreg:$0x1] =	wrdreg $0xFFFFFFFF  }
0xad: {  	[dreg:$0x0] =	wrdreg $0x60  }
0xae: {  	[dreg:$0x2] =	wrdreg s24  }
0xaf: {  	[dreg:$0x3] =	wrdreg s2  }
0xb0: {  	[dreg:$0x4] =	wrdreg $0x9  }
0xb1: {  	_ =	task.clear_ibuf [dreg:s7], $0x5FFFF;
	_ =	strace $0x90000046  }
0xb2: {  	s29 =	simm.s32 $0x9;
	_ =	strace $0x80000048  }
0xb3: {  	_ =	swait.ge [sflag:s29], $0x1  }
0xb4: {  	[sflag:s29] =	ssyncadd.s32 $0xFFFFFFFF  }
0xb5: {  	_ =	strace $0x90000048  }
0xb6: {  	_ =	sfence  }
0xb7: {  	s30 =	sld [smem:$0x0];
	_ =	sdelay $0x2  }
0xb8: {  	s31 =	sshll.u32 s1, $0xD;
	s1 =	sshrl.u32 s1, $0x2  }
0xb9: {  	s3 =	sand.u32 $0x4000, s31;
	s1 =	sadd.s32 s1, s30  }
0xba: {  	s0 =	sor.u32 s3, s0;
	s1 =	sshll.u32 s1, $0x11  }
0xbb: {  	s0 =	sor.u32 s1, s0  }
0xbc: {  	s0 =	sadd.s32 $0x8F2B, s0  }
0xbd: {  	[sflag:s0] =	ssyncadd.remote.s32 $0x1  }
0xbe: {  	_ =	sfence.sel $0xFFFF  }
0xbf: {  	[dreg:$0x0] =	wrdreg $0xFFFFFFFF;
	(pc) =	sbr.abs _section_cstart, $3  }
0xc0: {  	[dreg:$0x1] =	wrdreg $0xFFFFFFFF  }
0xc1: {  	_ =	task.clear_ibuf [dreg:s7], $0x2FFFF;
	_ =	strace $0x9FFFFFFF  }
0xc2: {  	(tm) =	ssettm $0x7FFFFFFF  }
0xc3: {  	_ =	shalt  }
tec
execute0_lowered:
.L_overlay_start_1:
0x0: {  	(tag) =	ssettag $0x1  }
0x1: {  	s1 =	srdreg.scid;
	s6 =	rddreg [dreg:$0x0]  }
0x2: {  	s0 =	stileid.u32;
	s2 =	rddreg [dreg:$0x1]  }
0x3: {  	s9 =	simm.s32 $0x9;
	s10 =	simm.s32 $0x6400;
	s11 =	simm.s32 $0xC8  }
0x4: {  	s12 =	simm.s32 $0x9600;
	s13 =	simm.s32 $0xC800;
	s14 =	simm.s32 $0x1  }
0x5: {  	s15 =	simm.s32 $0xFA00;
	s16 =	simm.s32 $0x2;
	s17 =	simm.s32 $0x5  }
0x6: {  	s18 =	simm.s32 $0x12C00;
	s19 =	simm.s32 $0x3;
	s20 =	simm.s32 $0x6  }
0x7: {  	s21 =	simm.s32 $0x4;
	s22 =	simm.s32 $0x7;
	s1 =	sand.u32 $0x1, s1  }
0x8: {  	s23 =	simm.s32 $0x8;
	s3 =	sshll.u32 s0, $0x8;
	s4 =	sshll.u32 s1, $0x7  }
.Ltmp0:
0x9: {  	s1 =	ssub.s32 $0x2, s1;
	s3 =	sor.u32 s4, s3;
	(pc) =	sbr.rel .LBB2_1-.Ltmp0, $4  }
0xa: {  	s4 =	simm.s32 $0x0;
	s8 =	sshrl.u32 s1, $0x1;
	s5 =	smul.u32 $0x19, s3  }
0xb: {  	s24 =	simm.s32 $0x0;
	[smem:$0x7FF] =	sst s4;
	s1 =	ssub.s32 s1, s8  }
0xc: {  	_ =	strace $0x80000047;
	s8 =	smax.u32 s1, $0x1;
	s7 =	sadd.s32 s5, s6  }
0xd: {  	s5 =	sadd.s32 $0xF43200, s6;
	s6 =	sadd.s32 $0x19C00, s6;
	s7 =	sadd.s32 $0xC00, s7  }
.LBB2_12:
0xe: {  	s24 =	sadd.s32 $0x1, s24  }
0xf: {  	p0 =	sne.s32 s24, s8  }
.Ltmp1:
0x10: {  	_ = 	snop;
	(pc) =	sbr.rel @!p0 .LBB2_13-.Ltmp1, $4  }
0x11: {  	_ = 	snop  }
0x12: {  	_ =	swait.ge [sflag:s23], $0x3200  }
0x13: {  	[sflag:s23] =	ssyncset.done $0x0  }
0x14: {  	[sflag:s23] =	ssyncadd.s32 $0xFFFFCE00  }
.LBB2_1:
0x15: {  	[tilespmem:s4], [sflag:$0x9] =	stream.linear.gather [hbm4b:s7+s4], $0x6400, $0x38;
	[tilespmem:$0x15E00] =	vst v63  }
0x16: {  	_ =	swait.ge [sflag:s9], $0x6400  }
0x17: {  	[sflag:s9] =	ssyncset.done $0x0  }
0x18: {  	[sflag:s9] =	ssyncadd.s32 $0xFFFF9C00  }
0x19: {  	[tilespmem:s10], [sflag:$0x9] =	stream.linear.gather [hbm4b:s6+s4], $0x3200, $0x38;
	[tilespmem:$0x15E00] =	vst v63  }
0x1a: {  	_ =	swait.ge [sflag:s9], $0x3200  }
0x1b: {  	[sflag:s9] =	ssyncset.done $0x0  }
0x1c: {  	[sflag:s9] =	ssyncadd.s32 $0xFFFFCE00  }
0x1d: {  	[tilespmem:s12], [sflag:$0x1] =	stream.indirect.gather [hbm4b:s5+s11], $0x40, s4, s11, $0xb8;
	[tilespmem:$0x15E00] =	vst v63  }
0x1e: {  	s25 =	simm.s32 $0x0  }
0x1f: {  	[tilespmem:s13], [sflag:$0x2] =	stream.indirect.gather [hbm4b:s5+s11], $0x40, s11, s11, $0xb8;
	[tilespmem:$0x15E00] =	vst v63  }
.LBB2_2:
0x20: {  	_ =	swait.ge [sflag:s14], $0x3200  }
0x21: {  	[sflag:s14] =	ssyncset.done $0x0  }
0x22: {  	s28 =	simm.s32 $0x9680;
	[sflag:s14] =	ssyncadd.s32 $0xFFFFCE00  }
0x23: {  	v0 =	vld [tilespmem:s28+$0xFFFFFF80]  }
0x24: {  	s26 =	simm.s32 $0x6480  }
0x25: {  	v1 =	vld [tilespmem:s26+$0xFFFFFF80];
	_ =	sdelay $0x2  }
0x26: {  	v0 =	vmul.f32 $8.000000000e+00, v0;
	_ =	sdelay $0x1  }
0x27: {  	v0 =	vadd.f32 v1, v0  }
0x28: {  	v1 =	vld [tilespmem:s28+$0xFFFFFF90]  }
0x29: {  	[tilespmem:s28+$0xFFFFFF80] =	vst v0  }
0x2a: {  	v0 =	vld [tilespmem:s26+$0xFFFFFF90];
	_ =	sdelay $0x2  }
0x2b: {  	v1 =	vmul.f32 $8.000000000e+00, v1;
	_ =	sdelay $0x1  }
0x2c: {  	v0 =	vadd.f32 v0, v1  }
0x2d: {  	v1 =	vld [tilespmem:s28+$0xFFFFFFA0]  }
0x2e: {  	[tilespmem:s28+$0xFFFFFF90] =	vst v0  }
0x2f: {  	v0 =	vld [tilespmem:s26+$0xFFFFFFA0];
	_ =	sdelay $0x2  }
0x30: {  	v1 =	vmul.f32 $8.000000000e+00, v1;
	_ =	sdelay $0x1  }
0x31: {  	v0 =	vadd.f32 v0, v1  }
0x32: {  	v1 =	vld [tilespmem:s28+$0xFFFFFFB0]  }
0x33: {  	[tilespmem:s28+$0xFFFFFFA0] =	vst v0  }
0x34: {  	v0 =	vld [tilespmem:s26+$0xFFFFFFB0];
	_ =	sdelay $0x2  }
0x35: {  	v1 =	vmul.f32 $8.000000000e+00, v1;
	_ =	sdelay $0x1  }
0x36: {  	v0 =	vadd.f32 v0, v1  }
0x37: {  	v1 =	vld [tilespmem:s28+$0xFFFFFFC0]  }
0x38: {  	[tilespmem:s28+$0xFFFFFFB0] =	vst v0  }
0x39: {  	v0 =	vld [tilespmem:s26+$0xFFFFFFC0];
	_ =	sdelay $0x2  }
0x3a: {  	v1 =	vmul.f32 $8.000000000e+00, v1;
	_ =	sdelay $0x1  }
0x3b: {  	v0 =	vadd.f32 v0, v1  }
0x3c: {  	v1 =	vld [tilespmem:s28+$0xFFFFFFD0]  }
0x3d: {  	[tilespmem:s28+$0xFFFFFFC0] =	vst v0  }
0x3e: {  	v0 =	vld [tilespmem:s26+$0xFFFFFFD0];
	_ =	sdelay $0x2  }
0x3f: {  	v1 =	vmul.f32 $8.000000000e+00, v1;
	_ =	sdelay $0x1  }
0x40: {  	v0 =	vadd.f32 v0, v1  }
0x41: {  	v1 =	vld [tilespmem:s28+$0xFFFFFFE0]  }
0x42: {  	[tilespmem:s28+$0xFFFFFFD0] =	vst v0  }
0x43: {  	v0 =	vld [tilespmem:s26+$0xFFFFFFE0];
	_ =	sdelay $0x2  }
0x44: {  	v1 =	vmul.f32 $8.000000000e+00, v1;
	_ =	sdelay $0x1  }
0x45: {  	v0 =	vadd.f32 v0, v1  }
0x46: {  	v1 =	vld [tilespmem:s28+$0xFFFFFFF0]  }
0x47: {  	[tilespmem:s28+$0xFFFFFFE0] =	vst v0  }
0x48: {  	v0 =	vld [tilespmem:s26+$0xFFFFFFF0];
	_ =	sdelay $0x2  }
0x49: {  	v1 =	vmul.f32 $8.000000000e+00, v1;
	_ =	sdelay $0x1  }
0x4a: {  	v0 =	vadd.f32 v0, v1  }
0x4b: {  	v1 =	vld [tilespmem:s28+$0x0]  }
0x4c: {  	[tilespmem:s28+$0xFFFFFFF0] =	vst v0  }
0x4d: {  	v0 =	vld [tilespmem:s26+$0x0];
	_ =	sdelay $0x2  }
0x4e: {  	v1 =	vmul.f32 $8.000000000e+00, v1;
	_ =	sdelay $0x1  }
0x4f: {  	v0 =	vadd.f32 v0, v1  }
0x50: {  	v1 =	vld [tilespmem:s28+$0x10]  }
0x51: {  	[tilespmem:s28+$0x0] =	vst v0  }
0x52: {  	v0 =	vld [tilespmem:s26+$0x10];
	_ =	sdelay $0x2  }
0x53: {  	v1 =	vmul.f32 $8.000000000e+00, v1;
	_ =	sdelay $0x1  }
0x54: {  	v0 =	vadd.f32 v0, v1  }
0x55: {  	v1 =	vld [tilespmem:s28+$0x20]  }
0x56: {  	[tilespmem:s28+$0x10] =	vst v0  }
0x57: {  	v0 =	vld [tilespmem:s26+$0x20];
	_ =	sdelay $0x2  }
0x58: {  	v1 =	vmul.f32 $8.000000000e+00, v1;
	_ =	sdelay $0x1  }
0x59: {  	v0 =	vadd.f32 v0, v1  }
0x5a: {  	v1 =	vld [tilespmem:s28+$0x30]  }
0x5b: {  	[tilespmem:s28+$0x20] =	vst v0  }
0x5c: {  	v0 =	vld [tilespmem:s26+$0x30];
	_ =	sdelay $0x2  }
0x5d: {  	v1 =	vmul.f32 $8.000000000e+00, v1;
	_ =	sdelay $0x1  }
0x5e: {  	v0 =	vadd.f32 v0, v1  }
0x5f: {  	v1 =	vld [tilespmem:s28+$0x40]  }
0x60: {  	[tilespmem:s28+$0x30] =	vst v0  }
0x61: {  	v0 =	vld [tilespmem:s26+$0x40];
	_ =	sdelay $0x2  }
0x62: {  	v1 =	vmul.f32 $8.000000000e+00, v1;
	_ =	sdelay $0x1  }
0x63: {  	v0 =	vadd.f32 v0, v1  }
0x64: {  	v1 =	vld [tilespmem:s28+$0x50]  }
0x65: {  	[tilespmem:s28+$0x40] =	vst v0  }
0x66: {  	v0 =	vld [tilespmem:s26+$0x50];
	_ =	sdelay $0x2  }
0x67: {  	v1 =	vmul.f32 $8.000000000e+00, v1;
	_ =	sdelay $0x1  }
0x68: {  	v0 =	vadd.f32 v0, v1  }
0x69: {  	v1 =	vld [tilespmem:s28+$0x60]  }
0x6a: {  	[tilespmem:s28+$0x50] =	vst v0  }
0x6b: {  	v0 =	vld [tilespmem:s26+$0x60];
	_ =	sdelay $0x2  }
0x6c: {  	v1 =	vmul.f32 $8.000000000e+00, v1;
	_ =	sdelay $0x1  }
0x6d: {  	v0 =	vadd.f32 v0, v1  }
0x6e: {  	v1 =	vld [tilespmem:s28+$0x70]  }
0x6f: {  	[tilespmem:s28+$0x60] =	vst v0  }
0x70: {  	v0 =	vld [tilespmem:s26+$0x70];
	_ =	sdelay $0x2  }
0x71: {  	v1 =	vmul.f32 $8.000000000e+00, v1;
	_ =	sdelay $0x1  }
0x72: {  	s29 =	simm.s32 $0x0;
	s30 =	simm.s32 $0x9780;
	v0 =	vadd.f32 v0, v1  }
.LBB2_3:
0x73: {  	v1 =	vld [tilespmem:s30+$0xFFFFFF80];
	s29 =	sadd.s32 $0x4, s29  }
0x74: {  	s26 =	sadd.s32 $0x100, s26;
	p0 =	slt.u32 s29, $0xC4;
	[tilespmem:s28+$0x70] =	vst v0;
	s28 =	smov.u32 s30  }
0x75: {  	v0 =	vld [tilespmem:s26+$0xFFFFFF80];
	_ =	sdelay $0x2  }
0x76: {  	v1 =	vmul.f32 $8.000000000e+00, v1;
	_ =	sdelay $0x1  }
0x77: {  	v0 =	vadd.f32 v0, v1  }
0x78: {  	v1 =	vld [tilespmem:s30+$0xFFFFFF90]  }
0x79: {  	[tilespmem:s30+$0xFFFFFF80] =	vst v0  }
0x7a: {  	v0 =	vld [tilespmem:s26+$0xFFFFFF90];
	_ =	sdelay $0x2  }
0x7b: {  	v1 =	vmul.f32 $8.000000000e+00, v1;
	_ =	sdelay $0x1  }
0x7c: {  	v0 =	vadd.f32 v0, v1  }
0x7d: {  	v1 =	vld [tilespmem:s30+$0xFFFFFFA0]  }
0x7e: {  	[tilespmem:s30+$0xFFFFFF90] =	vst v0  }
0x7f: {  	v0 =	vld [tilespmem:s26+$0xFFFFFFA0];
	_ =	sdelay $0x2  }
0x80: {  	v1 =	vmul.f32 $8.000000000e+00, v1;
	_ =	sdelay $0x1  }
0x81: {  	v0 =	vadd.f32 v0, v1  }
0x82: {  	v1 =	vld [tilespmem:s30+$0xFFFFFFB0]  }
0x83: {  	[tilespmem:s30+$0xFFFFFFA0] =	vst v0  }
0x84: {  	v0 =	vld [tilespmem:s26+$0xFFFFFFB0];
	_ =	sdelay $0x2  }
0x85: {  	v1 =	vmul.f32 $8.000000000e+00, v1;
	_ =	sdelay $0x1  }
0x86: {  	v0 =	vadd.f32 v0, v1  }
0x87: {  	v1 =	vld [tilespmem:s30+$0xFFFFFFC0]  }
0x88: {  	[tilespmem:s30+$0xFFFFFFB0] =	vst v0  }
0x89: {  	v0 =	vld [tilespmem:s26+$0xFFFFFFC0];
	_ =	sdelay $0x2  }
0x8a: {  	v1 =	vmul.f32 $8.000000000e+00, v1;
	_ =	sdelay $0x1  }
0x8b: {  	v0 =	vadd.f32 v0, v1  }
0x8c: {  	v1 =	vld [tilespmem:s30+$0xFFFFFFD0]  }
0x8d: {  	[tilespmem:s30+$0xFFFFFFC0] =	vst v0  }
0x8e: {  	v0 =	vld [tilespmem:s26+$0xFFFFFFD0];
	_ =	sdelay $0x2  }
0x8f: {  	v1 =	vmul.f32 $8.000000000e+00, v1;
	_ =	sdelay $0x1  }
0x90: {  	v0 =	vadd.f32 v0, v1  }
0x91: {  	v1 =	vld [tilespmem:s30+$0xFFFFFFE0]  }
0x92: {  	[tilespmem:s30+$0xFFFFFFD0] =	vst v0  }
0x93: {  	v0 =	vld [tilespmem:s26+$0xFFFFFFE0];
	_ =	sdelay $0x2  }
0x94: {  	v1 =	vmul.f32 $8.000000000e+00, v1;
	_ =	sdelay $0x1  }
0x95: {  	v0 =	vadd.f32 v0, v1  }
0x96: {  	v1 =	vld [tilespmem:s30+$0xFFFFFFF0]  }
0x97: {  	[tilespmem:s30+$0xFFFFFFE0] =	vst v0  }
0x98: {  	v0 =	vld [tilespmem:s26+$0xFFFFFFF0];
	_ =	sdelay $0x2  }
0x99: {  	v1 =	vmul.f32 $8.000000000e+00, v1;
	_ =	sdelay $0x1  }
0x9a: {  	v0 =	vadd.f32 v0, v1  }
0x9b: {  	v1 =	vld [tilespmem:s30+$0x0]  }
0x9c: {  	[tilespmem:s30+$0xFFFFFFF0] =	vst v0  }
0x9d: {  	v0 =	vld [tilespmem:s26+$0x0];
	_ =	sdelay $0x2  }
0x9e: {  	v1 =	vmul.f32 $8.000000000e+00, v1;
	_ =	sdelay $0x1  }
0x9f: {  	v0 =	vadd.f32 v0, v1  }
0xa0: {  	v1 =	vld [tilespmem:s30+$0x10]  }
0xa1: {  	[tilespmem:s30+$0x0] =	vst v0  }
0xa2: {  	v0 =	vld [tilespmem:s26+$0x10];
	_ =	sdelay $0x2  }
0xa3: {  	v1 =	vmul.f32 $8.000000000e+00, v1;
	_ =	sdelay $0x1  }
0xa4: {  	v0 =	vadd.f32 v0, v1  }
0xa5: {  	v1 =	vld [tilespmem:s30+$0x20]  }
0xa6: {  	[tilespmem:s30+$0x10] =	vst v0  }
0xa7: {  	v0 =	vld [tilespmem:s26+$0x20];
	_ =	sdelay $0x2  }
0xa8: {  	v1 =	vmul.f32 $8.000000000e+00, v1;
	_ =	sdelay $0x1  }
0xa9: {  	v0 =	vadd.f32 v0, v1  }
0xaa: {  	v1 =	vld [tilespmem:s30+$0x30]  }
0xab: {  	[tilespmem:s30+$0x20] =	vst v0  }
0xac: {  	v0 =	vld [tilespmem:s26+$0x30];
	_ =	sdelay $0x2  }
0xad: {  	v1 =	vmul.f32 $8.000000000e+00, v1;
	_ =	sdelay $0x1  }
0xae: {  	v0 =	vadd.f32 v0, v1  }
0xaf: {  	v1 =	vld [tilespmem:s30+$0x40]  }
0xb0: {  	[tilespmem:s30+$0x30] =	vst v0  }
0xb1: {  	v0 =	vld [tilespmem:s26+$0x40];
	_ =	sdelay $0x2  }
0xb2: {  	v1 =	vmul.f32 $8.000000000e+00, v1;
	_ =	sdelay $0x1  }
0xb3: {  	v0 =	vadd.f32 v0, v1  }
0xb4: {  	v1 =	vld [tilespmem:s30+$0x50]  }
0xb5: {  	[tilespmem:s30+$0x40] =	vst v0  }
0xb6: {  	v0 =	vld [tilespmem:s26+$0x50];
	_ =	sdelay $0x2  }
0xb7: {  	v1 =	vmul.f32 $8.000000000e+00, v1;
	_ =	sdelay $0x1  }
0xb8: {  	v0 =	vadd.f32 v0, v1  }
0xb9: {  	v1 =	vld [tilespmem:s30+$0x60]  }
0xba: {  	[tilespmem:s30+$0x50] =	vst v0  }
0xbb: {  	v0 =	vld [tilespmem:s26+$0x60];
	_ =	sdelay $0x2  }
0xbc: {  	v1 =	vmul.f32 $8.000000000e+00, v1;
	_ =	sdelay $0x1  }
0xbd: {  	v0 =	vadd.f32 v0, v1  }
0xbe: {  	v1 =	vld [tilespmem:s30+$0x70]  }
0xbf: {  	[tilespmem:s30+$0x60] =	vst v0  }
0xc0: {  	v0 =	vld [tilespmem:s26+$0x70]  }
.Ltmp2:
0xc1: {  	(pc) =	sbr.rel @p0 .LBB2_3-.Ltmp2, $3  }
0xc2: {  	_ = 	snop  }
0xc3: {  	v1 =	vmul.f32 $8.000000000e+00, v1;
	_ =	sdelay $0x1  }
0xc4: {  	s30 =	sadd.s32 $0x100, s30;
	v0 =	vadd.f32 v0, v1  }
0xc5: {  	s26 =	sshll.u32 s25, $0x2  }
0xc6: {  	s1 =	sadd.s32 s3, s26  }
0xc7: {  	s1 =	smul.u32 $0x640, s1;
	_ =	sdelay $0x1  }
0xc8: {  	p0 =	seq.s32 s25, $0x0;
	[tilespmem:s28+$0x70] =	vst v0;
	s1 =	sadd.s32 s2, s1  }
0xc9: {  	[hbm4b:s1+s4] =	stream.linear.scatter [tilespmem:s12], [sflag:$0x5], $0x3200, $0x38;
	[tilespmem:$0x15E00] =	vst v63  }
0xca: {  	s28 =	sor.u32 $0x2, s26;
	s1 =	simm.s32 @!p0 $0x8  }
0xcb: {  	s29 =	smul.u32 $0x320, s28;
	_ =	swait.ge @!p0 [sflag:s1], $0x3200  }
0xcc: {  	[sflag:s1] =	ssyncset.done @!p0 $0x0  }
0xcd: {  	[sflag:s1] =	ssyncadd.s32 @!p0 $0xFFFFCE00;
	s1 =	sshra.s32 s29, $0x2  }
0xce: {  	[tilespmem:s15], [sflag:$0x3] =	stream.indirect.gather [hbm4b:s5+s11], $0x40, s1, s11, $0xb8;
	[tilespmem:$0x15E00] =	vst v63  }
0xcf: {  	_ =	swait.ge [sflag:s16], $0x3200  }
0xd0: {  	[sflag:s16] =	ssyncset.done $0x0  }
0xd1: {  	s29 =	simm.s32 $0xC880;
	[sflag:s16] =	ssyncadd.s32 $0xFFFFCE00  }
0xd2: {  	v0 =	vld [tilespmem:s29+$0xFFFFFF80]  }
0xd3: {  	s30 =	simm.s32 $0x6480  }
0xd4: {  	v1 =	vld [tilespmem:s30+$0xFFFFFF80];
	_ =	sdelay $0x2  }
0xd5: {  	v0 =	vmul.f32 $8.000000000e+00, v0;
	_ =	sdelay $0x1  }
0xd6: {  	v0 =	vadd.f32 v1, v0  }
0xd7: {  	v1 =	vld [tilespmem:s29+$0xFFFFFF90]  }
0xd8: {  	[tilespmem:s29+$0xFFFFFF80] =	vst v0  }
0xd9: {  	v0 =	vld [tilespmem:s30+$0xFFFFFF90];
	_ =	sdelay $0x2  }
0xda: {  	v1 =	vmul.f32 $8.000000000e+00, v1;
	_ =	sdelay $0x1  }
0xdb: {  	v0 =	vadd.f32 v0, v1  }
0xdc: {  	v1 =	vld [tilespmem:s29+$0xFFFFFFA0]  }
0xdd: {  	[tilespmem:s29+$0xFFFFFF90] =	vst v0  }
0xde: {  	v0 =	vld [tilespmem:s30+$0xFFFFFFA0];
	_ =	sdelay $0x2  }
0xdf: {  	v1 =	vmul.f32 $8.000000000e+00, v1;
	_ =	sdelay $0x1  }
0xe0: {  	v0 =	vadd.f32 v0, v1  }
0xe1: {  	v1 =	vld [tilespmem:s29+$0xFFFFFFB0]  }
0xe2: {  	[tilespmem:s29+$0xFFFFFFA0] =	vst v0  }
0xe3: {  	v0 =	vld [tilespmem:s30+$0xFFFFFFB0];
	_ =	sdelay $0x2  }
0xe4: {  	v1 =	vmul.f32 $8.000000000e+00, v1;
	_ =	sdelay $0x1  }
0xe5: {  	v0 =	vadd.f32 v0, v1  }
0xe6: {  	v1 =	vld [tilespmem:s29+$0xFFFFFFC0]  }
0xe7: {  	[tilespmem:s29+$0xFFFFFFB0] =	vst v0  }
0xe8: {  	v0 =	vld [tilespmem:s30+$0xFFFFFFC0];
	_ =	sdelay $0x2  }
0xe9: {  	v1 =	vmul.f32 $8.000000000e+00, v1;
	_ =	sdelay $0x1  }
0xea: {  	v0 =	vadd.f32 v0, v1  }
0xeb: {  	v1 =	vld [tilespmem:s29+$0xFFFFFFD0]  }
0xec: {  	[tilespmem:s29+$0xFFFFFFC0] =	vst v0  }
0xed: {  	v0 =	vld [tilespmem:s30+$0xFFFFFFD0];
	_ =	sdelay $0x2  }
0xee: {  	v1 =	vmul.f32 $8.000000000e+00, v1;
	_ =	sdelay $0x1  }
0xef: {  	v0 =	vadd.f32 v0, v1  }
0xf0: {  	v1 =	vld [tilespmem:s29+$0xFFFFFFE0]  }
0xf1: {  	[tilespmem:s29+$0xFFFFFFD0] =	vst v0  }
0xf2: {  	v0 =	vld [tilespmem:s30+$0xFFFFFFE0];
	_ =	sdelay $0x2  }
0xf3: {  	v1 =	vmul.f32 $8.000000000e+00, v1;
	_ =	sdelay $0x1  }
0xf4: {  	v0 =	vadd.f32 v0, v1  }
0xf5: {  	v1 =	vld [tilespmem:s29+$0xFFFFFFF0]  }
0xf6: {  	[tilespmem:s29+$0xFFFFFFE0] =	vst v0  }
0xf7: {  	v0 =	vld [tilespmem:s30+$0xFFFFFFF0];
	_ =	sdelay $0x2  }
0xf8: {  	v1 =	vmul.f32 $8.000000000e+00, v1;
	_ =	sdelay $0x1  }
0xf9: {  	v0 =	vadd.f32 v0, v1  }
0xfa: {  	v1 =	vld [tilespmem:s29+$0x0]  }
0xfb: {  	[tilespmem:s29+$0xFFFFFFF0] =	vst v0  }
0xfc: {  	v0 =	vld [tilespmem:s30+$0x0];
	_ =	sdelay $0x2  }
0xfd: {  	v1 =	vmul.f32 $8.000000000e+00, v1;
	_ =	sdelay $0x1  }
0xfe: {  	v0 =	vadd.f32 v0, v1  }
0xff: {  	v1 =	vld [tilespmem:s29+$0x10]  }
0x100: {  	[tilespmem:s29+$0x0] =	vst v0  }
0x101: {  	v0 =	vld [tilespmem:s30+$0x10];
	_ =	sdelay $0x2  }
0x102: {  	v1 =	vmul.f32 $8.000000000e+00, v1;
	_ =	sdelay $0x1  }
0x103: {  	v0 =	vadd.f32 v0, v1  }
0x104: {  	v1 =	vld [tilespmem:s29+$0x20]  }
0x105: {  	[tilespmem:s29+$0x10] =	vst v0  }
0x106: {  	v0 =	vld [tilespmem:s30+$0x20];
	_ =	sdelay $0x2  }
0x107: {  	v1 =	vmul.f32 $8.000000000e+00, v1;
	_ =	sdelay $0x1  }
0x108: {  	v0 =	vadd.f32 v0, v1  }
0x109: {  	v1 =	vld [tilespmem:s29+$0x30]  }
0x10a: {  	[tilespmem:s29+$0x20] =	vst v0  }
0x10b: {  	v0 =	vld [tilespmem:s30+$0x30];
	_ =	sdelay $0x2  }
0x10c: {  	v1 =	vmul.f32 $8.000000000e+00, v1;
	_ =	sdelay $0x1  }
0x10d: {  	v0 =	vadd.f32 v0, v1  }
0x10e: {  	v1 =	vld [tilespmem:s29+$0x40]  }
0x10f: {  	[tilespmem:s29+$0x30] =	vst v0  }
0x110: {  	v0 =	vld [tilespmem:s30+$0x40];
	_ =	sdelay $0x2  }
0x111: {  	v1 =	vmul.f32 $8.000000000e+00, v1;
	_ =	sdelay $0x1  }
0x112: {  	v0 =	vadd.f32 v0, v1  }
0x113: {  	v1 =	vld [tilespmem:s29+$0x50]  }
0x114: {  	[tilespmem:s29+$0x40] =	vst v0  }
0x115: {  	v0 =	vld [tilespmem:s30+$0x50];
	_ =	sdelay $0x2  }
0x116: {  	v1 =	vmul.f32 $8.000000000e+00, v1;
	_ =	sdelay $0x1  }
0x117: {  	v0 =	vadd.f32 v0, v1  }
0x118: {  	v1 =	vld [tilespmem:s29+$0x60]  }
0x119: {  	[tilespmem:s29+$0x50] =	vst v0  }
0x11a: {  	v0 =	vld [tilespmem:s30+$0x60];
	_ =	sdelay $0x2  }
0x11b: {  	v1 =	vmul.f32 $8.000000000e+00, v1;
	_ =	sdelay $0x1  }
0x11c: {  	v0 =	vadd.f32 v0, v1  }
0x11d: {  	v1 =	vld [tilespmem:s29+$0x70]  }
0x11e: {  	[tilespmem:s29+$0x60] =	vst v0  }
0x11f: {  	v0 =	vld [tilespmem:s30+$0x70];
	_ =	sdelay $0x2  }
0x120: {  	v1 =	vmul.f32 $8.000000000e+00, v1;
	_ =	sdelay $0x1  }
0x121: {  	s31 =	simm.s32 $0x0;
	s1 =	simm.s32 $0xC980;
	v0 =	vadd.f32 v0, v1  }
.LBB2_5:
0x122: {  	v1 =	vld [tilespmem:s1+$0xFFFFFF80];
	s31 =	sadd.s32 $0x4, s31  }
0x123: {  	s30 =	sadd.s32 $0x100, s30;
	p0 =	slt.u32 s31, $0xC4;
	[tilespmem:s29+$0x70] =	vst v0;
	s29 =	smov.u32 s1  }
0x124: {  	v0 =	vld [tilespmem:s30+$0xFFFFFF80];
	_ =	sdelay $0x2  }
0x125: {  	v1 =	vmul.f32 $8.000000000e+00, v1;
	_ =	sdelay $0x1  }
0x126: {  	v0 =	vadd.f32 v0, v1  }
0x127: {  	v1 =	vld [tilespmem:s1+$0xFFFFFF90]  }
0x128: {  	[tilespmem:s1+$0xFFFFFF80] =	vst v0  }
0x129: {  	v0 =	vld [tilespmem:s30+$0xFFFFFF90];
	_ =	sdelay $0x2  }
0x12a: {  	v1 =	vmul.f32 $8.000000000e+00, v1;
	_ =	sdelay $0x1  }
0x12b: {  	v0 =	vadd.f32 v0, v1  }
0x12c: {  	v1 =	vld [tilespmem:s1+$0xFFFFFFA0]  }
0x12d: {  	[tilespmem:s1+$0xFFFFFF90] =	vst v0  }
0x12e: {  	v0 =	vld [tilespmem:s30+$0xFFFFFFA0];
	_ =	sdelay $0x2  }
0x12f: {  	v1 =	vmul.f32 $8.000000000e+00, v1;
	_ =	sdelay $0x1  }
0x130: {  	v0 =	vadd.f32 v0, v1  }
0x131: {  	v1 =	vld [tilespmem:s1+$0xFFFFFFB0]  }
0x132: {  	[tilespmem:s1+$0xFFFFFFA0] =	vst v0  }
0x133: {  	v0 =	vld [tilespmem:s30+$0xFFFFFFB0];
	_ =	sdelay $0x2  }
0x134: {  	v1 =	vmul.f32 $8.000000000e+00, v1;
	_ =	sdelay $0x1  }
0x135: {  	v0 =	vadd.f32 v0, v1  }
0x136: {  	v1 =	vld [tilespmem:s1+$0xFFFFFFC0]  }
0x137: {  	[tilespmem:s1+$0xFFFFFFB0] =	vst v0  }
0x138: {  	v0 =	vld [tilespmem:s30+$0xFFFFFFC0];
	_ =	sdelay $0x2  }
0x139: {  	v1 =	vmul.f32 $8.000000000e+00, v1;
	_ =	sdelay $0x1  }
0x13a: {  	v0 =	vadd.f32 v0, v1  }
0x13b: {  	v1 =	vld [tilespmem:s1+$0xFFFFFFD0]  }
0x13c: {  	[tilespmem:s1+$0xFFFFFFC0] =	vst v0  }
0x13d: {  	v0 =	vld [tilespmem:s30+$0xFFFFFFD0];
	_ =	sdelay $0x2  }
0x13e: {  	v1 =	vmul.f32 $8.000000000e+00, v1;
	_ =	sdelay $0x1  }
0x13f: {  	v0 =	vadd.f32 v0, v1  }
0x140: {  	v1 =	vld [tilespmem:s1+$0xFFFFFFE0]  }
0x141: {  	[tilespmem:s1+$0xFFFFFFD0] =	vst v0  }
0x142: {  	v0 =	vld [tilespmem:s30+$0xFFFFFFE0];
	_ =	sdelay $0x2  }
0x143: {  	v1 =	vmul.f32 $8.000000000e+00, v1;
	_ =	sdelay $0x1  }
0x144: {  	v0 =	vadd.f32 v0, v1  }
0x145: {  	v1 =	vld [tilespmem:s1+$0xFFFFFFF0]  }
0x146: {  	[tilespmem:s1+$0xFFFFFFE0] =	vst v0  }
0x147: {  	v0 =	vld [tilespmem:s30+$0xFFFFFFF0];
	_ =	sdelay $0x2  }
0x148: {  	v1 =	vmul.f32 $8.000000000e+00, v1;
	_ =	sdelay $0x1  }
0x149: {  	v0 =	vadd.f32 v0, v1  }
0x14a: {  	v1 =	vld [tilespmem:s1+$0x0]  }
0x14b: {  	[tilespmem:s1+$0xFFFFFFF0] =	vst v0  }
0x14c: {  	v0 =	vld [tilespmem:s30+$0x0];
	_ =	sdelay $0x2  }
0x14d: {  	v1 =	vmul.f32 $8.000000000e+00, v1;
	_ =	sdelay $0x1  }
0x14e: {  	v0 =	vadd.f32 v0, v1  }
0x14f: {  	v1 =	vld [tilespmem:s1+$0x10]  }
0x150: {  	[tilespmem:s1+$0x0] =	vst v0  }
0x151: {  	v0 =	vld [tilespmem:s30+$0x10];
	_ =	sdelay $0x2  }
0x152: {  	v1 =	vmul.f32 $8.000000000e+00, v1;
	_ =	sdelay $0x1  }
0x153: {  	v0 =	vadd.f32 v0, v1  }
0x154: {  	v1 =	vld [tilespmem:s1+$0x20]  }
0x155: {  	[tilespmem:s1+$0x10] =	vst v0  }
0x156: {  	v0 =	vld [tilespmem:s30+$0x20];
	_ =	sdelay $0x2  }
0x157: {  	v1 =	vmul.f32 $8.000000000e+00, v1;
	_ =	sdelay $0x1  }
0x158: {  	v0 =	vadd.f32 v0, v1  }
0x159: {  	v1 =	vld [tilespmem:s1+$0x30]  }
0x15a: {  	[tilespmem:s1+$0x20] =	vst v0  }
0x15b: {  	v0 =	vld [tilespmem:s30+$0x30];
	_ =	sdelay $0x2  }
0x15c: {  	v1 =	vmul.f32 $8.000000000e+00, v1;
	_ =	sdelay $0x1  }
0x15d: {  	v0 =	vadd.f32 v0, v1  }
0x15e: {  	v1 =	vld [tilespmem:s1+$0x40]  }
0x15f: {  	[tilespmem:s1+$0x30] =	vst v0  }
0x160: {  	v0 =	vld [tilespmem:s30+$0x40];
	_ =	sdelay $0x2  }
0x161: {  	v1 =	vmul.f32 $8.000000000e+00, v1;
	_ =	sdelay $0x1  }
0x162: {  	v0 =	vadd.f32 v0, v1  }
0x163: {  	v1 =	vld [tilespmem:s1+$0x50]  }
0x164: {  	[tilespmem:s1+$0x40] =	vst v0  }
0x165: {  	v0 =	vld [tilespmem:s30+$0x50];
	_ =	sdelay $0x2  }
0x166: {  	v1 =	vmul.f32 $8.000000000e+00, v1;
	_ =	sdelay $0x1  }
0x167: {  	v0 =	vadd.f32 v0, v1  }
0x168: {  	v1 =	vld [tilespmem:s1+$0x60]  }
0x169: {  	[tilespmem:s1+$0x50] =	vst v0  }
0x16a: {  	v0 =	vld [tilespmem:s30+$0x60];
	_ =	sdelay $0x2  }
0x16b: {  	v1 =	vmul.f32 $8.000000000e+00, v1;
	_ =	sdelay $0x1  }
0x16c: {  	v0 =	vadd.f32 v0, v1  }
0x16d: {  	v1 =	vld [tilespmem:s1+$0x70]  }
0x16e: {  	[tilespmem:s1+$0x60] =	vst v0  }
0x16f: {  	v0 =	vld [tilespmem:s30+$0x70]  }
.Ltmp3:
0x170: {  	(pc) =	sbr.rel @p0 .LBB2_5-.Ltmp3, $3  }
0x171: {  	_ = 	snop  }
0x172: {  	v1 =	vmul.f32 $8.000000000e+00, v1;
	_ =	sdelay $0x1  }
0x173: {  	s1 =	sadd.s32 $0x100, s1;
	v0 =	vadd.f32 v0, v1  }
0x174: {  	s1 =	sadd.s32 s26, s3  }
0x175: {  	s1 =	smul.u32 $0x640, s1;
	_ =	sdelay $0x1  }
0x176: {  	s1 =	sadd.s32 s2, s1  }
0x177: {  	s26 =	sor.u32 $0x3, s26;
	[tilespmem:s29+$0x70] =	vst v0;
	s1 =	sadd.s32 $0x640, s1  }
0x178: {  	[hbm4b:s1+s4] =	stream.linear.scatter [tilespmem:s13], [sflag:$0x6], $0x3200, $0x38;
	[tilespmem:$0x15E00] =	vst v63  }
0x179: {  	s1 =	smul.u32 $0x320, s26;
	_ =	swait.ge [sflag:s17], $0x3200  }
0x17a: {  	[sflag:s17] =	ssyncset.done $0x0  }
0x17b: {  	s1 =	sshra.s32 s1, $0x2;
	[sflag:s17] =	ssyncadd.s32 $0xFFFFCE00  }
0x17c: {  	[tilespmem:s18], [sflag:$0x4] =	stream.indirect.gather [hbm4b:s5+s11], $0x40, s1, s11, $0xb8;
	[tilespmem:$0x15E00] =	vst v63  }
0x17d: {  	_ =	swait.ge [sflag:s19], $0x3200  }
0x17e: {  	[sflag:s19] =	ssyncset.done $0x0  }
0x17f: {  	s29 =	simm.s32 $0xFA80;
	[sflag:s19] =	ssyncadd.s32 $0xFFFFCE00  }
0x180: {  	v0 =	vld [tilespmem:s29+$0xFFFFFF80]  }
0x181: {  	s30 =	simm.s32 $0x6480  }
0x182: {  	v1 =	vld [tilespmem:s30+$0xFFFFFF80];
	_ =	sdelay $0x2  }
0x183: {  	v0 =	vmul.f32 $8.000000000e+00, v0;
	_ =	sdelay $0x1  }
0x184: {  	v0 =	vadd.f32 v1, v0  }
0x185: {  	v1 =	vld [tilespmem:s29+$0xFFFFFF90]  }
0x186: {  	[tilespmem:s29+$0xFFFFFF80] =	vst v0  }
0x187: {  	v0 =	vld [tilespmem:s30+$0xFFFFFF90];
	_ =	sdelay $0x2  }
0x188: {  	v1 =	vmul.f32 $8.000000000e+00, v1;
	_ =	sdelay $0x1  }
0x189: {  	v0 =	vadd.f32 v0, v1  }
0x18a: {  	v1 =	vld [tilespmem:s29+$0xFFFFFFA0]  }
0x18b: {  	[tilespmem:s29+$0xFFFFFF90] =	vst v0  }
0x18c: {  	v0 =	vld [tilespmem:s30+$0xFFFFFFA0];
	_ =	sdelay $0x2  }
0x18d: {  	v1 =	vmul.f32 $8.000000000e+00, v1;
	_ =	sdelay $0x1  }
0x18e: {  	v0 =	vadd.f32 v0, v1  }
0x18f: {  	v1 =	vld [tilespmem:s29+$0xFFFFFFB0]  }
0x190: {  	[tilespmem:s29+$0xFFFFFFA0] =	vst v0  }
0x191: {  	v0 =	vld [tilespmem:s30+$0xFFFFFFB0];
	_ =	sdelay $0x2  }
0x192: {  	v1 =	vmul.f32 $8.000000000e+00, v1;
	_ =	sdelay $0x1  }
0x193: {  	v0 =	vadd.f32 v0, v1  }
0x194: {  	v1 =	vld [tilespmem:s29+$0xFFFFFFC0]  }
0x195: {  	[tilespmem:s29+$0xFFFFFFB0] =	vst v0  }
0x196: {  	v0 =	vld [tilespmem:s30+$0xFFFFFFC0];
	_ =	sdelay $0x2  }
0x197: {  	v1 =	vmul.f32 $8.000000000e+00, v1;
	_ =	sdelay $0x1  }
0x198: {  	v0 =	vadd.f32 v0, v1  }
0x199: {  	v1 =	vld [tilespmem:s29+$0xFFFFFFD0]  }
0x19a: {  	[tilespmem:s29+$0xFFFFFFC0] =	vst v0  }
0x19b: {  	v0 =	vld [tilespmem:s30+$0xFFFFFFD0];
	_ =	sdelay $0x2  }
0x19c: {  	v1 =	vmul.f32 $8.000000000e+00, v1;
	_ =	sdelay $0x1  }
0x19d: {  	v0 =	vadd.f32 v0, v1  }
0x19e: {  	v1 =	vld [tilespmem:s29+$0xFFFFFFE0]  }
0x19f: {  	[tilespmem:s29+$0xFFFFFFD0] =	vst v0  }
0x1a0: {  	v0 =	vld [tilespmem:s30+$0xFFFFFFE0];
	_ =	sdelay $0x2  }
0x1a1: {  	v1 =	vmul.f32 $8.000000000e+00, v1;
	_ =	sdelay $0x1  }
0x1a2: {  	v0 =	vadd.f32 v0, v1  }
0x1a3: {  	v1 =	vld [tilespmem:s29+$0xFFFFFFF0]  }
0x1a4: {  	[tilespmem:s29+$0xFFFFFFE0] =	vst v0  }
0x1a5: {  	v0 =	vld [tilespmem:s30+$0xFFFFFFF0];
	_ =	sdelay $0x2  }
0x1a6: {  	v1 =	vmul.f32 $8.000000000e+00, v1;
	_ =	sdelay $0x1  }
0x1a7: {  	v0 =	vadd.f32 v0, v1  }
0x1a8: {  	v1 =	vld [tilespmem:s29+$0x0]  }
0x1a9: {  	[tilespmem:s29+$0xFFFFFFF0] =	vst v0  }
0x1aa: {  	v0 =	vld [tilespmem:s30+$0x0];
	_ =	sdelay $0x2  }
0x1ab: {  	v1 =	vmul.f32 $8.000000000e+00, v1;
	_ =	sdelay $0x1  }
0x1ac: {  	v0 =	vadd.f32 v0, v1  }
0x1ad: {  	v1 =	vld [tilespmem:s29+$0x10]  }
0x1ae: {  	[tilespmem:s29+$0x0] =	vst v0  }
0x1af: {  	v0 =	vld [tilespmem:s30+$0x10];
	_ =	sdelay $0x2  }
0x1b0: {  	v1 =	vmul.f32 $8.000000000e+00, v1;
	_ =	sdelay $0x1  }
0x1b1: {  	v0 =	vadd.f32 v0, v1  }
0x1b2: {  	v1 =	vld [tilespmem:s29+$0x20]  }
0x1b3: {  	[tilespmem:s29+$0x10] =	vst v0  }
0x1b4: {  	v0 =	vld [tilespmem:s30+$0x20];
	_ =	sdelay $0x2  }
0x1b5: {  	v1 =	vmul.f32 $8.000000000e+00, v1;
	_ =	sdelay $0x1  }
0x1b6: {  	v0 =	vadd.f32 v0, v1  }
0x1b7: {  	v1 =	vld [tilespmem:s29+$0x30]  }
0x1b8: {  	[tilespmem:s29+$0x20] =	vst v0  }
0x1b9: {  	v0 =	vld [tilespmem:s30+$0x30];
	_ =	sdelay $0x2  }
0x1ba: {  	v1 =	vmul.f32 $8.000000000e+00, v1;
	_ =	sdelay $0x1  }
0x1bb: {  	v0 =	vadd.f32 v0, v1  }
0x1bc: {  	v1 =	vld [tilespmem:s29+$0x40]  }
0x1bd: {  	[tilespmem:s29+$0x30] =	vst v0  }
0x1be: {  	v0 =	vld [tilespmem:s30+$0x40];
	_ =	sdelay $0x2  }
0x1bf: {  	v1 =	vmul.f32 $8.000000000e+00, v1;
	_ =	sdelay $0x1  }
0x1c0: {  	v0 =	vadd.f32 v0, v1  }
0x1c1: {  	v1 =	vld [tilespmem:s29+$0x50]  }
0x1c2: {  	[tilespmem:s29+$0x40] =	vst v0  }
0x1c3: {  	v0 =	vld [tilespmem:s30+$0x50];
	_ =	sdelay $0x2  }
0x1c4: {  	v1 =	vmul.f32 $8.000000000e+00, v1;
	_ =	sdelay $0x1  }
0x1c5: {  	v0 =	vadd.f32 v0, v1  }
0x1c6: {  	v1 =	vld [tilespmem:s29+$0x60]  }
0x1c7: {  	[tilespmem:s29+$0x50] =	vst v0  }
0x1c8: {  	v0 =	vld [tilespmem:s30+$0x60];
	_ =	sdelay $0x2  }
0x1c9: {  	v1 =	vmul.f32 $8.000000000e+00, v1;
	_ =	sdelay $0x1  }
0x1ca: {  	v0 =	vadd.f32 v0, v1  }
0x1cb: {  	v1 =	vld [tilespmem:s29+$0x70]  }
0x1cc: {  	[tilespmem:s29+$0x60] =	vst v0  }
0x1cd: {  	v0 =	vld [tilespmem:s30+$0x70];
	_ =	sdelay $0x2  }
0x1ce: {  	v1 =	vmul.f32 $8.000000000e+00, v1;
	_ =	sdelay $0x1  }
0x1cf: {  	s31 =	simm.s32 $0x0;
	s1 =	simm.s32 $0xFB80;
	v0 =	vadd.f32 v0, v1  }
.LBB2_7:
0x1d0: {  	v1 =	vld [tilespmem:s1+$0xFFFFFF80];
	s31 =	sadd.s32 $0x4, s31  }
0x1d1: {  	s30 =	sadd.s32 $0x100, s30;
	p0 =	slt.u32 s31, $0xC4;
	[tilespmem:s29+$0x70] =	vst v0;
	s29 =	smov.u32 s1  }
0x1d2: {  	v0 =	vld [tilespmem:s30+$0xFFFFFF80];
	_ =	sdelay $0x2  }
0x1d3: {  	v1 =	vmul.f32 $8.000000000e+00, v1;
	_ =	sdelay $0x1  }
0x1d4: {  	v0 =	vadd.f32 v0, v1  }
0x1d5: {  	v1 =	vld [tilespmem:s1+$0xFFFFFF90]  }
0x1d6: {  	[tilespmem:s1+$0xFFFFFF80] =	vst v0  }
0x1d7: {  	v0 =	vld [tilespmem:s30+$0xFFFFFF90];
	_ =	sdelay $0x2  }
0x1d8: {  	v1 =	vmul.f32 $8.000000000e+00, v1;
	_ =	sdelay $0x1  }
0x1d9: {  	v0 =	vadd.f32 v0, v1  }
0x1da: {  	v1 =	vld [tilespmem:s1+$0xFFFFFFA0]  }
0x1db: {  	[tilespmem:s1+$0xFFFFFF90] =	vst v0  }
0x1dc: {  	v0 =	vld [tilespmem:s30+$0xFFFFFFA0];
	_ =	sdelay $0x2  }
0x1dd: {  	v1 =	vmul.f32 $8.000000000e+00, v1;
	_ =	sdelay $0x1  }
0x1de: {  	v0 =	vadd.f32 v0, v1  }
0x1df: {  	v1 =	vld [tilespmem:s1+$0xFFFFFFB0]  }
0x1e0: {  	[tilespmem:s1+$0xFFFFFFA0] =	vst v0  }
0x1e1: {  	v0 =	vld [tilespmem:s30+$0xFFFFFFB0];
	_ =	sdelay $0x2  }
0x1e2: {  	v1 =	vmul.f32 $8.000000000e+00, v1;
	_ =	sdelay $0x1  }
0x1e3: {  	v0 =	vadd.f32 v0, v1  }
0x1e4: {  	v1 =	vld [tilespmem:s1+$0xFFFFFFC0]  }
0x1e5: {  	[tilespmem:s1+$0xFFFFFFB0] =	vst v0  }
0x1e6: {  	v0 =	vld [tilespmem:s30+$0xFFFFFFC0];
	_ =	sdelay $0x2  }
0x1e7: {  	v1 =	vmul.f32 $8.000000000e+00, v1;
	_ =	sdelay $0x1  }
0x1e8: {  	v0 =	vadd.f32 v0, v1  }
0x1e9: {  	v1 =	vld [tilespmem:s1+$0xFFFFFFD0]  }
0x1ea: {  	[tilespmem:s1+$0xFFFFFFC0] =	vst v0  }
0x1eb: {  	v0 =	vld [tilespmem:s30+$0xFFFFFFD0];
	_ =	sdelay $0x2  }
0x1ec: {  	v1 =	vmul.f32 $8.000000000e+00, v1;
	_ =	sdelay $0x1  }
0x1ed: {  	v0 =	vadd.f32 v0, v1  }
0x1ee: {  	v1 =	vld [tilespmem:s1+$0xFFFFFFE0]  }
0x1ef: {  	[tilespmem:s1+$0xFFFFFFD0] =	vst v0  }
0x1f0: {  	v0 =	vld [tilespmem:s30+$0xFFFFFFE0];
	_ =	sdelay $0x2  }
0x1f1: {  	v1 =	vmul.f32 $8.000000000e+00, v1;
	_ =	sdelay $0x1  }
0x1f2: {  	v0 =	vadd.f32 v0, v1  }
0x1f3: {  	v1 =	vld [tilespmem:s1+$0xFFFFFFF0]  }
0x1f4: {  	[tilespmem:s1+$0xFFFFFFE0] =	vst v0  }
0x1f5: {  	v0 =	vld [tilespmem:s30+$0xFFFFFFF0];
	_ =	sdelay $0x2  }
0x1f6: {  	v1 =	vmul.f32 $8.000000000e+00, v1;
	_ =	sdelay $0x1  }
0x1f7: {  	v0 =	vadd.f32 v0, v1  }
0x1f8: {  	v1 =	vld [tilespmem:s1+$0x0]  }
0x1f9: {  	[tilespmem:s1+$0xFFFFFFF0] =	vst v0  }
0x1fa: {  	v0 =	vld [tilespmem:s30+$0x0];
	_ =	sdelay $0x2  }
0x1fb: {  	v1 =	vmul.f32 $8.000000000e+00, v1;
	_ =	sdelay $0x1  }
0x1fc: {  	v0 =	vadd.f32 v0, v1  }
0x1fd: {  	v1 =	vld [tilespmem:s1+$0x10]  }
0x1fe: {  	[tilespmem:s1+$0x0] =	vst v0  }
0x1ff: {  	v0 =	vld [tilespmem:s30+$0x10];
	_ =	sdelay $0x2  }
0x200: {  	v1 =	vmul.f32 $8.000000000e+00, v1;
	_ =	sdelay $0x1  }
0x201: {  	v0 =	vadd.f32 v0, v1  }
0x202: {  	v1 =	vld [tilespmem:s1+$0x20]  }
0x203: {  	[tilespmem:s1+$0x10] =	vst v0  }
0x204: {  	v0 =	vld [tilespmem:s30+$0x20];
	_ =	sdelay $0x2  }
0x205: {  	v1 =	vmul.f32 $8.000000000e+00, v1;
	_ =	sdelay $0x1  }
0x206: {  	v0 =	vadd.f32 v0, v1  }
0x207: {  	v1 =	vld [tilespmem:s1+$0x30]  }
0x208: {  	[tilespmem:s1+$0x20] =	vst v0  }
0x209: {  	v0 =	vld [tilespmem:s30+$0x30];
	_ =	sdelay $0x2  }
0x20a: {  	v1 =	vmul.f32 $8.000000000e+00, v1;
	_ =	sdelay $0x1  }
0x20b: {  	v0 =	vadd.f32 v0, v1  }
0x20c: {  	v1 =	vld [tilespmem:s1+$0x40]  }
0x20d: {  	[tilespmem:s1+$0x30] =	vst v0  }
0x20e: {  	v0 =	vld [tilespmem:s30+$0x40];
	_ =	sdelay $0x2  }
0x20f: {  	v1 =	vmul.f32 $8.000000000e+00, v1;
	_ =	sdelay $0x1  }
0x210: {  	v0 =	vadd.f32 v0, v1  }
0x211: {  	v1 =	vld [tilespmem:s1+$0x50]  }
0x212: {  	[tilespmem:s1+$0x40] =	vst v0  }
0x213: {  	v0 =	vld [tilespmem:s30+$0x50];
	_ =	sdelay $0x2  }
0x214: {  	v1 =	vmul.f32 $8.000000000e+00, v1;
	_ =	sdelay $0x1  }
0x215: {  	v0 =	vadd.f32 v0, v1  }
0x216: {  	v1 =	vld [tilespmem:s1+$0x60]  }
0x217: {  	[tilespmem:s1+$0x50] =	vst v0  }
0x218: {  	v0 =	vld [tilespmem:s30+$0x60];
	_ =	sdelay $0x2  }
0x219: {  	v1 =	vmul.f32 $8.000000000e+00, v1;
	_ =	sdelay $0x1  }
0x21a: {  	v0 =	vadd.f32 v0, v1  }
0x21b: {  	v1 =	vld [tilespmem:s1+$0x70]  }
0x21c: {  	[tilespmem:s1+$0x60] =	vst v0  }
0x21d: {  	v0 =	vld [tilespmem:s30+$0x70]  }
.Ltmp4:
0x21e: {  	(pc) =	sbr.rel @p0 .LBB2_7-.Ltmp4, $3  }
0x21f: {  	_ = 	snop  }
0x220: {  	v1 =	vmul.f32 $8.000000000e+00, v1;
	_ =	sdelay $0x1  }
0x221: {  	s1 =	sadd.s32 $0x100, s1;
	v0 =	vadd.f32 v0, v1  }
0x222: {  	s1 =	sadd.s32 s3, s28  }
0x223: {  	s1 =	smul.u32 $0x640, s1;
	_ =	sdelay $0x1  }
0x224: {  	p0 =	seq.s32 s25, $0x1F;
	[tilespmem:s29+$0x70] =	vst v0;
	s1 =	sadd.s32 s2, s1  }
0x225: {  	[hbm4b:s1+s4] =	stream.linear.scatter [tilespmem:s15], [sflag:$0x7], $0x3200, $0x38;
	[tilespmem:$0x15E00] =	vst v63  }
0x226: {  	s1 =	smul.u32 @!p0 $0xC80, s25  }
0x227: {  	_ =	swait.ge [sflag:s20], $0x3200  }
0x228: {  	s28 =	simm.s32 @!p0 $0xC8;
	[sflag:s20] =	ssyncset.done $0x0;
	s1 =	sshra.s32 @!p0 s1, $0x2  }
0x229: {  	s29 =	simm.s32 @!p0 $0x9600;
	[sflag:s20] =	ssyncadd.s32 $0xFFFFCE00;
	s1 =	sadd.s32 @!p0 $0x320, s1  }
0x22a: {  	[tilespmem:s29], [sflag:$0x1] =	stream.indirect.gather @!p0 [hbm4b:s5+s28], $0x40, s1, s28, $0xb8;
	[tilespmem:$0x15E00] =	vst v63  }
0x22b: {  	_ =	swait.ge [sflag:s21], $0x3200  }
0x22c: {  	[sflag:s21] =	ssyncset.done $0x0  }
0x22d: {  	s28 =	simm.s32 $0x12C80;
	[sflag:s21] =	ssyncadd.s32 $0xFFFFCE00  }
0x22e: {  	v0 =	vld [tilespmem:s28+$0xFFFFFF80]  }
0x22f: {  	s29 =	simm.s32 $0x6480  }
0x230: {  	v1 =	vld [tilespmem:s29+$0xFFFFFF80];
	_ =	sdelay $0x2  }
0x231: {  	v0 =	vmul.f32 $8.000000000e+00, v0;
	_ =	sdelay $0x1  }
0x232: {  	v0 =	vadd.f32 v1, v0  }
0x233: {  	v1 =	vld [tilespmem:s28+$0xFFFFFF90]  }
0x234: {  	[tilespmem:s28+$0xFFFFFF80] =	vst v0  }
0x235: {  	v0 =	vld [tilespmem:s29+$0xFFFFFF90];
	_ =	sdelay $0x2  }
0x236: {  	v1 =	vmul.f32 $8.000000000e+00, v1;
	_ =	sdelay $0x1  }
0x237: {  	v0 =	vadd.f32 v0, v1  }
0x238: {  	v1 =	vld [tilespmem:s28+$0xFFFFFFA0]  }
0x239: {  	[tilespmem:s28+$0xFFFFFF90] =	vst v0  }
0x23a: {  	v0 =	vld [tilespmem:s29+$0xFFFFFFA0];
	_ =	sdelay $0x2  }
0x23b: {  	v1 =	vmul.f32 $8.000000000e+00, v1;
	_ =	sdelay $0x1  }
0x23c: {  	v0 =	vadd.f32 v0, v1  }
0x23d: {  	v1 =	vld [tilespmem:s28+$0xFFFFFFB0]  }
0x23e: {  	[tilespmem:s28+$0xFFFFFFA0] =	vst v0  }
0x23f: {  	v0 =	vld [tilespmem:s29+$0xFFFFFFB0];
	_ =	sdelay $0x2  }
0x240: {  	v1 =	vmul.f32 $8.000000000e+00, v1;
	_ =	sdelay $0x1  }
0x241: {  	v0 =	vadd.f32 v0, v1  }
0x242: {  	v1 =	vld [tilespmem:s28+$0xFFFFFFC0]  }
0x243: {  	[tilespmem:s28+$0xFFFFFFB0] =	vst v0  }
0x244: {  	v0 =	vld [tilespmem:s29+$0xFFFFFFC0];
	_ =	sdelay $0x2  }
0x245: {  	v1 =	vmul.f32 $8.000000000e+00, v1;
	_ =	sdelay $0x1  }
0x246: {  	v0 =	vadd.f32 v0, v1  }
0x247: {  	v1 =	vld [tilespmem:s28+$0xFFFFFFD0]  }
0x248: {  	[tilespmem:s28+$0xFFFFFFC0] =	vst v0  }
0x249: {  	v0 =	vld [tilespmem:s29+$0xFFFFFFD0];
	_ =	sdelay $0x2  }
0x24a: {  	v1 =	vmul.f32 $8.000000000e+00, v1;
	_ =	sdelay $0x1  }
0x24b: {  	v0 =	vadd.f32 v0, v1  }
0x24c: {  	v1 =	vld [tilespmem:s28+$0xFFFFFFE0]  }
0x24d: {  	[tilespmem:s28+$0xFFFFFFD0] =	vst v0  }
0x24e: {  	v0 =	vld [tilespmem:s29+$0xFFFFFFE0];
	_ =	sdelay $0x2  }
0x24f: {  	v1 =	vmul.f32 $8.000000000e+00, v1;
	_ =	sdelay $0x1  }
0x250: {  	v0 =	vadd.f32 v0, v1  }
0x251: {  	v1 =	vld [tilespmem:s28+$0xFFFFFFF0]  }
0x252: {  	[tilespmem:s28+$0xFFFFFFE0] =	vst v0  }
0x253: {  	v0 =	vld [tilespmem:s29+$0xFFFFFFF0];
	_ =	sdelay $0x2  }
0x254: {  	v1 =	vmul.f32 $8.000000000e+00, v1;
	_ =	sdelay $0x1  }
0x255: {  	v0 =	vadd.f32 v0, v1  }
0x256: {  	v1 =	vld [tilespmem:s28+$0x0]  }
0x257: {  	[tilespmem:s28+$0xFFFFFFF0] =	vst v0  }
0x258: {  	v0 =	vld [tilespmem:s29+$0x0];
	_ =	sdelay $0x2  }
0x259: {  	v1 =	vmul.f32 $8.000000000e+00, v1;
	_ =	sdelay $0x1  }
0x25a: {  	v0 =	vadd.f32 v0, v1  }
0x25b: {  	v1 =	vld [tilespmem:s28+$0x10]  }
0x25c: {  	[tilespmem:s28+$0x0] =	vst v0  }
0x25d: {  	v0 =	vld [tilespmem:s29+$0x10];
	_ =	sdelay $0x2  }
0x25e: {  	v1 =	vmul.f32 $8.000000000e+00, v1;
	_ =	sdelay $0x1  }
0x25f: {  	v0 =	vadd.f32 v0, v1  }
0x260: {  	v1 =	vld [tilespmem:s28+$0x20]  }
0x261: {  	[tilespmem:s28+$0x10] =	vst v0  }
0x262: {  	v0 =	vld [tilespmem:s29+$0x20];
	_ =	sdelay $0x2  }
0x263: {  	v1 =	vmul.f32 $8.000000000e+00, v1;
	_ =	sdelay $0x1  }
0x264: {  	v0 =	vadd.f32 v0, v1  }
0x265: {  	v1 =	vld [tilespmem:s28+$0x30]  }
0x266: {  	[tilespmem:s28+$0x20] =	vst v0  }
0x267: {  	v0 =	vld [tilespmem:s29+$0x30];
	_ =	sdelay $0x2  }
0x268: {  	v1 =	vmul.f32 $8.000000000e+00, v1;
	_ =	sdelay $0x1  }
0x269: {  	v0 =	vadd.f32 v0, v1  }
0x26a: {  	v1 =	vld [tilespmem:s28+$0x40]  }
0x26b: {  	[tilespmem:s28+$0x30] =	vst v0  }
0x26c: {  	v0 =	vld [tilespmem:s29+$0x40];
	_ =	sdelay $0x2  }
0x26d: {  	v1 =	vmul.f32 $8.000000000e+00, v1;
	_ =	sdelay $0x1  }
0x26e: {  	v0 =	vadd.f32 v0, v1  }
0x26f: {  	v1 =	vld [tilespmem:s28+$0x50]  }
0x270: {  	[tilespmem:s28+$0x40] =	vst v0  }
0x271: {  	v0 =	vld [tilespmem:s29+$0x50];
	_ =	sdelay $0x2  }
0x272: {  	v1 =	vmul.f32 $8.000000000e+00, v1;
	_ =	sdelay $0x1  }
0x273: {  	v0 =	vadd.f32 v0, v1  }
0x274: {  	v1 =	vld [tilespmem:s28+$0x60]  }
0x275: {  	[tilespmem:s28+$0x50] =	vst v0  }
0x276: {  	v0 =	vld [tilespmem:s29+$0x60];
	_ =	sdelay $0x2  }
0x277: {  	v1 =	vmul.f32 $8.000000000e+00, v1;
	_ =	sdelay $0x1  }
0x278: {  	v0 =	vadd.f32 v0, v1  }
0x279: {  	v1 =	vld [tilespmem:s28+$0x70]  }
0x27a: {  	[tilespmem:s28+$0x60] =	vst v0  }
0x27b: {  	v0 =	vld [tilespmem:s29+$0x70];
	_ =	sdelay $0x2  }
0x27c: {  	v1 =	vmul.f32 $8.000000000e+00, v1;
	_ =	sdelay $0x1  }
0x27d: {  	s30 =	simm.s32 $0x0;
	s1 =	simm.s32 $0x12D80;
	v0 =	vadd.f32 v0, v1  }
.LBB2_9:
0x27e: {  	v1 =	vld [tilespmem:s1+$0xFFFFFF80];
	s30 =	sadd.s32 $0x4, s30  }
0x27f: {  	s29 =	sadd.s32 $0x100, s29;
	p1 =	slt.u32 s30, $0xC4;
	[tilespmem:s28+$0x70] =	vst v0;
	s28 =	smov.u32 s1  }
0x280: {  	v0 =	vld [tilespmem:s29+$0xFFFFFF80];
	_ =	sdelay $0x2  }
0x281: {  	v1 =	vmul.f32 $8.000000000e+00, v1;
	_ =	sdelay $0x1  }
0x282: {  	v0 =	vadd.f32 v0, v1  }
0x283: {  	v1 =	vld [tilespmem:s1+$0xFFFFFF90]  }
0x284: {  	[tilespmem:s1+$0xFFFFFF80] =	vst v0  }
0x285: {  	v0 =	vld [tilespmem:s29+$0xFFFFFF90];
	_ =	sdelay $0x2  }
0x286: {  	v1 =	vmul.f32 $8.000000000e+00, v1;
	_ =	sdelay $0x1  }
0x287: {  	v0 =	vadd.f32 v0, v1  }
0x288: {  	v1 =	vld [tilespmem:s1+$0xFFFFFFA0]  }
0x289: {  	[tilespmem:s1+$0xFFFFFF90] =	vst v0  }
0x28a: {  	v0 =	vld [tilespmem:s29+$0xFFFFFFA0];
	_ =	sdelay $0x2  }
0x28b: {  	v1 =	vmul.f32 $8.000000000e+00, v1;
	_ =	sdelay $0x1  }
0x28c: {  	v0 =	vadd.f32 v0, v1  }
0x28d: {  	v1 =	vld [tilespmem:s1+$0xFFFFFFB0]  }
0x28e: {  	[tilespmem:s1+$0xFFFFFFA0] =	vst v0  }
0x28f: {  	v0 =	vld [tilespmem:s29+$0xFFFFFFB0];
	_ =	sdelay $0x2  }
0x290: {  	v1 =	vmul.f32 $8.000000000e+00, v1;
	_ =	sdelay $0x1  }
0x291: {  	v0 =	vadd.f32 v0, v1  }
0x292: {  	v1 =	vld [tilespmem:s1+$0xFFFFFFC0]  }
0x293: {  	[tilespmem:s1+$0xFFFFFFB0] =	vst v0  }
0x294: {  	v0 =	vld [tilespmem:s29+$0xFFFFFFC0];
	_ =	sdelay $0x2  }
0x295: {  	v1 =	vmul.f32 $8.000000000e+00, v1;
	_ =	sdelay $0x1  }
0x296: {  	v0 =	vadd.f32 v0, v1  }
0x297: {  	v1 =	vld [tilespmem:s1+$0xFFFFFFD0]  }
0x298: {  	[tilespmem:s1+$0xFFFFFFC0] =	vst v0  }
0x299: {  	v0 =	vld [tilespmem:s29+$0xFFFFFFD0];
	_ =	sdelay $0x2  }
0x29a: {  	v1 =	vmul.f32 $8.000000000e+00, v1;
	_ =	sdelay $0x1  }
0x29b: {  	v0 =	vadd.f32 v0, v1  }
0x29c: {  	v1 =	vld [tilespmem:s1+$0xFFFFFFE0]  }
0x29d: {  	[tilespmem:s1+$0xFFFFFFD0] =	vst v0  }
0x29e: {  	v0 =	vld [tilespmem:s29+$0xFFFFFFE0];
	_ =	sdelay $0x2  }
0x29f: {  	v1 =	vmul.f32 $8.000000000e+00, v1;
	_ =	sdelay $0x1  }
0x2a0: {  	v0 =	vadd.f32 v0, v1  }
0x2a1: {  	v1 =	vld [tilespmem:s1+$0xFFFFFFF0]  }
0x2a2: {  	[tilespmem:s1+$0xFFFFFFE0] =	vst v0  }
0x2a3: {  	v0 =	vld [tilespmem:s29+$0xFFFFFFF0];
	_ =	sdelay $0x2  }
0x2a4: {  	v1 =	vmul.f32 $8.000000000e+00, v1;
	_ =	sdelay $0x1  }
0x2a5: {  	v0 =	vadd.f32 v0, v1  }
0x2a6: {  	v1 =	vld [tilespmem:s1+$0x0]  }
0x2a7: {  	[tilespmem:s1+$0xFFFFFFF0] =	vst v0  }
0x2a8: {  	v0 =	vld [tilespmem:s29+$0x0];
	_ =	sdelay $0x2  }
0x2a9: {  	v1 =	vmul.f32 $8.000000000e+00, v1;
	_ =	sdelay $0x1  }
0x2aa: {  	v0 =	vadd.f32 v0, v1  }
0x2ab: {  	v1 =	vld [tilespmem:s1+$0x10]  }
0x2ac: {  	[tilespmem:s1+$0x0] =	vst v0  }
0x2ad: {  	v0 =	vld [tilespmem:s29+$0x10];
	_ =	sdelay $0x2  }
0x2ae: {  	v1 =	vmul.f32 $8.000000000e+00, v1;
	_ =	sdelay $0x1  }
0x2af: {  	v0 =	vadd.f32 v0, v1  }
0x2b0: {  	v1 =	vld [tilespmem:s1+$0x20]  }
0x2b1: {  	[tilespmem:s1+$0x10] =	vst v0  }
0x2b2: {  	v0 =	vld [tilespmem:s29+$0x20];
	_ =	sdelay $0x2  }
0x2b3: {  	v1 =	vmul.f32 $8.000000000e+00, v1;
	_ =	sdelay $0x1  }
0x2b4: {  	v0 =	vadd.f32 v0, v1  }
0x2b5: {  	v1 =	vld [tilespmem:s1+$0x30]  }
0x2b6: {  	[tilespmem:s1+$0x20] =	vst v0  }
0x2b7: {  	v0 =	vld [tilespmem:s29+$0x30];
	_ =	sdelay $0x2  }
0x2b8: {  	v1 =	vmul.f32 $8.000000000e+00, v1;
	_ =	sdelay $0x1  }
0x2b9: {  	v0 =	vadd.f32 v0, v1  }
0x2ba: {  	v1 =	vld [tilespmem:s1+$0x40]  }
0x2bb: {  	[tilespmem:s1+$0x30] =	vst v0  }
0x2bc: {  	v0 =	vld [tilespmem:s29+$0x40];
	_ =	sdelay $0x2  }
0x2bd: {  	v1 =	vmul.f32 $8.000000000e+00, v1;
	_ =	sdelay $0x1  }
0x2be: {  	v0 =	vadd.f32 v0, v1  }
0x2bf: {  	v1 =	vld [tilespmem:s1+$0x50]  }
0x2c0: {  	[tilespmem:s1+$0x40] =	vst v0  }
0x2c1: {  	v0 =	vld [tilespmem:s29+$0x50];
	_ =	sdelay $0x2  }
0x2c2: {  	v1 =	vmul.f32 $8.000000000e+00, v1;
	_ =	sdelay $0x1  }
0x2c3: {  	v0 =	vadd.f32 v0, v1  }
0x2c4: {  	v1 =	vld [tilespmem:s1+$0x60]  }
0x2c5: {  	[tilespmem:s1+$0x50] =	vst v0  }
0x2c6: {  	v0 =	vld [tilespmem:s29+$0x60];
	_ =	sdelay $0x2  }
0x2c7: {  	v1 =	vmul.f32 $8.000000000e+00, v1;
	_ =	sdelay $0x1  }
0x2c8: {  	v0 =	vadd.f32 v0, v1  }
0x2c9: {  	v1 =	vld [tilespmem:s1+$0x70]  }
0x2ca: {  	[tilespmem:s1+$0x60] =	vst v0  }
0x2cb: {  	v0 =	vld [tilespmem:s29+$0x70]  }
.Ltmp5:
0x2cc: {  	(pc) =	sbr.rel @p1 .LBB2_9-.Ltmp5, $3  }
0x2cd: {  	_ = 	snop  }
0x2ce: {  	v1 =	vmul.f32 $8.000000000e+00, v1;
	_ =	sdelay $0x1  }
0x2cf: {  	s1 =	sadd.s32 $0x100, s1;
	v0 =	vadd.f32 v0, v1  }
0x2d0: {  	s1 =	sadd.s32 s3, s26  }
0x2d1: {  	s1 =	smul.u32 $0x640, s1;
	_ =	sdelay $0x1  }
.Ltmp6:
0x2d2: {  	[tilespmem:s28+$0x70] =	vst v0;
	s1 =	sadd.s32 s2, s1;
	(pc) =	sbr.rel @p0 .LBB2_12-.Ltmp6, $4  }
0x2d3: {  	[hbm4b:s1+s4] =	stream.linear.scatter [tilespmem:s18], [sflag:$0x8], $0x3200, $0x38;
	[tilespmem:$0x15E00] =	vst v63  }
0x2d4: {  	_ =	swait.ge [sflag:s22], $0x3200  }
0x2d5: {  	[sflag:s22] =	ssyncset.done $0x0  }
0x2d6: {  	[sflag:s22] =	ssyncadd.s32 $0xFFFFCE00  }
0x2d7: {  	s1 =	smul.u32 $0xC80, s25  }
.Ltmp7:
0x2d8: {  	_ = 	snop;
	(pc) =	sbr.rel .LBB2_2-.Ltmp7, $4  }
0x2d9: {  	_ = 	snop  }
0x2da: {  	s1 =	sshra.s32 s1, $0x2  }
0x2db: {  	s25 =	sadd.s32 $0x1, s25;
	s1 =	sadd.s32 $0x3E8, s1  }
0x2dc: {  	[tilespmem:s13], [sflag:$0x2] =	stream.indirect.gather [hbm4b:s5+s11], $0x40, s1, s11, $0xb8;
	[tilespmem:$0x15E00] =	vst v63  }
.LBB2_13:
0x2dd: {  	_ =	sfence.sel $0x180000  }
0x2de: {  	[bflag:$0x0] =	sbarrier.arrive $0xFFFF  }
0x2df: {  	_ =	strace $0x90000047  }
0x2e0: {  	[bflag:$0x2] =	sbarrier.arrive $0xFFFF  }
0x2e1: {  	p0 =	sne.s32 s0, $0x0;
	s0 =	rddreg [dreg:$0x2]  }
0x2e2: {  	s0 =	sadd.s32 @!p0 $0x100000, s0  }
0x2e3: {  	[sflag:s0] =	ssyncadd.tile.s32 @!p0 $0x1;
	_ =	shalt  }
.Lfunc_end2:
_tile_overlayer_lowered:
.L_overlay_start_2:
0x2e4: {  	(tag) =	ssettag $0x2  }
0x2e5: {  	s0 =	rddreg [dreg:$0x0];
	s2 =	stileid.u32  }
0x2e6: {  	s1 =	rddreg [dreg:$0x1];
	p0 =	sne.s32 s2, $0x0  }
0x2e7: {  	s3 =	rddreg [dreg:$0x2];
	[bflag:$0x3] =	sbarrier.arrive $0xFFFF;
	s2 =	simm.s32 @!p0 $0x1C09  }
0x2e8: {  	[timem:s3], [sflag:s2] =	dma.local @!p0 [hbm:s0], s1  }
0x2e9: {  	s0 =	simm.s32 @!p0 $0x9  }
0x2ea: {  	_ =	swait.ge @!p0 [sflag:s0], s1  }
0x2eb: {  	s1 =	ssub.s32 @!p0 $0x0, s1;
	[sflag:s0] =	ssyncset.done @!p0 $0x0  }
0x2ec: {  	[sflag:s0] =	ssyncadd.s32 @!p0 s1  }
0x2ed: {  	[bflag:$0x3] =	sbarrier.arrive $0xFFFF  }
0x2ee: {  	_ =	shalt  }

// kernel: sparse-core-data-format-call.cloned.1.call-start
scs
called_computation_lowered:
.L_overlay_start_0:
0x0: {  	s2 =	sld [smem:$0x3FD9]  }
0x1: {  	s3 =	sld [smem:$0x3FFE];
	_ =	sdelay $0x1  }
0x2: {  	s1 =	srdreg.scid  }
0x3: {  	s0 =	sand.u32 $0x1, s1  }
0x4: {  	s18 =	sshll.u32 s0, $0xA;
	s2 =	sadd.s32 s3, s2  }
0x5: {  	s2 =	sadd.s32 s2, s18  }
0x6: {  	[smem:$0x3FC5] =	sst s2  }
0x7: {  	_ = 	snop  }
0x8: {  	s2 =	sld [smem:$0x3FD0];
	(tm) =	ssettm $0x1  }
0x9: {  	s19 =	sld [smem:$0x3FFB];
	_ =	sdelay $0x3  }
0xa: {  	_ =	strace s19  }
0xb: {  	s3 =	sld [smem:$0x3FFC];
	_ =	sdelay $0x3  }
0xc: {  	_ =	strace s3  }
0xd: {  	s3 =	sld [smem:$0x3FFD];
	_ =	sdelay $0x3  }
0xe: {  	_ =	strace s3  }
0xf: {  	_ =	strace $0x8FFFFFFF  }
0x10: {  	s20 =	sld [smem:$0x3FDB];
	_ =	sdelay $0x1  }
0x11: {  	s4 =	simm.s32 $_scs_section_size  }
0x12: {  	s5 =	simm.s32 $_size__tile_overlayer_lowered;
	s6 =	simm.s32 $_tile_overlayer_lowered  }
0x13: {  	s23 =	simm.s32 $0x1BFF;
	s22 =	sshll.u32 s6, $0x1;
	s3 =	sadd.s32 s4, s20  }
0x14: {  	s7 =	simm.s32 $0x0;
	s21 =	sshll.u32 s5, $0x1;
	s5 =	sadd.s32 s22, s3  }
0x15: {  	[timem:s7], [sflag:s23] =	dma.local [hbm:s5], s21  }
0x16: {  	_ =	swait.ge [sflag:s23], s21  }
0x17: {  	s4 =	ssub.s32 $0x0, s21;
	[sflag:s23] =	ssyncset.done $0x0  }
0x18: {  	[sflag:s23] =	ssyncadd.s32 s4;
	_ =	sdelay $0x1  }
0x19: {  	s24 =	simm.s32 $0x1B8B  }
0x1a: {  	_ =	swait.ge [sflag:s24], $0x1  }
0x1b: {  	[sflag:s24] =	ssyncset.done $0x0  }
0x1c: {  	s26 =	simm.s32 $0x1B8E;
	s25 =	sld [smem:$0x3FFE];
	[sflag:s24] =	ssyncadd.s32 $0xFFFFFFFF  }
0x1d: {  	s27 =	simm.s32 $execute0_lowered;
	[smem:$0x3FD2] =	sst s26  }
0x1e: {  	s5 =	sshll.u32 s27, $0x1;
	_ =	strace $0x80000049;
	[dreg:$0x1] =	wrdreg $0xFFFFFFFF  }
0x1f: {  	s28 =	simm.s32 $_size_execute0_lowered;
	s3 =	sadd.s32 s3, s5;
	[dreg:$0x0] =	wrdreg $0x0  }
0x20: {  	s5 =	sshll.u32 s28, $0x1;
	[dreg:$0x2] =	wrdreg s3  }
0x21: {  	[dreg:$0x3] =	wrdreg s5  }
0x22: {  	[dreg:$0x4] =	wrdreg $0xC0  }
0x23: {  	_ =	task [dreg:s7], $0x5FFFF  }
0x24: {  	[dreg:$0x1] =	wrdreg $0xFFFFFFFF  }
0x25: {  	[dreg:$0x0] =	wrdreg $0x60  }
0x26: {  	[dreg:$0x2] =	wrdreg s25  }
0x27: {  	[dreg:$0x3] =	wrdreg s2  }
0x28: {  	[dreg:$0x4] =	wrdreg $0x9  }
0x29: {  	_ =	task.clear_ibuf [dreg:s7], $0x5FFFF;
	_ =	strace $0x90000049  }
0x2a: {  	s29 =	simm.s32 $0x9;
	_ =	strace $0x8000004B  }
0x2b: {  	_ =	swait.ge [sflag:s29], $0x1  }
0x2c: {  	[sflag:s29] =	ssyncadd.s32 $0xFFFFFFFF  }
0x2d: {  	_ =	strace $0x9000004B  }
0x2e: {  	_ =	sfence  }
0x2f: {  	s30 =	sld [smem:$0x0];
	_ =	sdelay $0x2  }
0x30: {  	s31 =	sshll.u32 s1, $0xD;
	s1 =	sshrl.u32 s1, $0x2  }
0x31: {  	s3 =	sand.u32 $0x4000, s31;
	s1 =	sadd.s32 s1, s30  }
0x32: {  	s0 =	sor.u32 s3, s0;
	s1 =	sshll.u32 s1, $0x11  }
0x33: {  	s0 =	sor.u32 s1, s0  }
0x34: {  	s0 =	sadd.s32 $0x8F2B, s0  }
0x35: {  	[sflag:s0] =	ssyncadd.remote.s32 $0x1  }
0x36: {  	_ =	sfence.sel $0xFFFF  }
0x37: {  	[dreg:$0x0] =	wrdreg $0xFFFFFFFF;
	(pc) =	sbr.abs _section_cstart, $3  }
0x38: {  	[dreg:$0x1] =	wrdreg $0xFFFFFFFF  }
0x39: {  	_ =	task.clear_ibuf [dreg:s7], $0x2FFFF;
	_ =	strace $0x9FFFFFFF  }
0x3a: {  	(tm) =	ssettm $0x7FFFFFFF  }
0x3b: {  	_ =	shalt  }
tec
execute0_lowered:
.L_overlay_start_1:
0x0: {  	(tag) =	ssettag $0x1  }
0x1: {  	s0 =	srdreg.scid  }
0x2: {  	s1 =	sshll.u32 s0, $0x4  }
0x3: {  	s0 =	stileid.u32;
	s1 =	sand.u32 $0x10, s1  }
0x4: {  	s1 =	sor.u32 s0, s1  }
0x5: {  	s6 =	rddreg [dreg:$0x0];
	s4 =	simm.s32 $0x1;
	s2 =	sshll.u32 s1, $0x7  }
0x6: {  	s7 =	simm.s32 $0x2;
	s12 =	simm.s32 $0x0;
	s1 =	ssub.s32 $0x1000, s2  }
0x7: {  	s8 =	simm.s32 $0x8000;
	s13 =	simm.s32 $0x0;
	s3 =	sand.u32 $0xF80, s1  }
0x8: {  	s9 =	simm.s32 $0x0;
	s5 =	sshrl.u32 s1, $0xC;
	p0 =	sne.s32 s3, $0x0  }
.Ltmp0:
0x9: {  	s1 =	rddreg [dreg:$0x2];
	s4 =	simm.s32 @!p0 $0x0;
	(pc) =	sbr.rel .LBB1_1-.Ltmp0, $4  }
0xa: {  	s11 =	simm.s32 $0x0;
	s3 =	rddreg [dreg:$0x1];
	s5 =	sadd.s32 s4, s5  }
0xb: {  	_ =	strace $0x8000004A;
	s4 =	simm.s32 $0x1;
	s5 =	smul.u32 $0xC8, s5  }
0xc: {  	s6 =	sadd.s32 $0xC00, s6;
	s10 =	smov.u32 s2;
	[sflag:s4] =	ssyncpa.u1 $0x0  }
0xd: {  	p0 =	por $0x0, $0x0;
	[sflag:s7] =	ssyncpa.u1 $0x0;
	s7 =	sor.u32 $0x1, s5  }
.LBB1_4:
0xe: {  	s16 =	sshll.u32 s13, $0x3;
	s17 =	sand.u32 $0x78, s13  }
0xf: {  	s30 =	sand.u32 $0x7E00, s13;
	s12 =	sshll.u32 s12, $0xF;
	s16 =	sand.u32 $0xC00, s16  }
0x10: {  	[tilespmem:s15+$0x810 ss:$0x81] =	vst.msk $0xffff, v2;
	s31 =	sand.u32 $0x7, s13;
	s16 =	sor.u32 s17, s16;
	s17 =	sadd.s32 s3, s30  }
0x11: {  	[tilespmem:s15+$0x1020 ss:$0x81] =	vst.msk $0xffff, v0;
	s13 =	sshll.u32 s31, $0x12;
	s12 =	sadd.s32 s12, s17;
	s16 =	sshrl.u32 s16, $0x3  }
0x12: {  	[tilespmem:s15+$0x0 ss:$0x81] =	vst.msk $0xffff, v1;
	s13 =	sor.u32 $0x400, s13;
	s12 =	sadd.s32 s16, s12  }
0x13: {  	[hbm4b:s12+s13] =	stream.strided.scatter [tilespmem:s14], [sflag:$0x2], $0x2000, s8, s13, $0x20;
	[tilespmem:$0x8080] =	vst v63  }
.LBB1_5:
0x14: {  	s14 =	sadd.s32 $0x1, s9  }
0x15: {  	s12 =	sadd.s32 $0x1000, s10;
	s16 =	smov.u32 s10;
	p2 =	sgt.s32 s14, $0xC7  }
0x16: {  	s16 =	smov.u32 @p2 s12  }
0x17: {  	s14 =	simm.s32 @p2 $0x0;
	p2 =	sgt.s32 s16, $0xFFF  }
0x18: {  	s16 =	smov.u32 @p2 s2;
	p2 =	sne.s32 s11, s7  }
.Ltmp1:
0x19: {  	p1 =	slt.u32 s11, $0x2;
	(pc) =	sbr.rel @!p2 .LBB1_6-.Ltmp1, $4  }
0x1a: {  	s15 =	simm.s32 @!p1 $0x2  }
0x1b: {  	s13 =	smov.u32 s10;
	p0 =	por !p0, !p0;
	_ =	swait.ge @!p1 [sflag:s15], $0x2000  }
0x1c: {  	s12 =	smov.u32 s9;
	[sflag:s15] =	ssyncset.done @!p1 $0x0;
	s9 =	smov.u32 s14  }
0x1d: {  	s11 =	sadd.s32 $0x1, s11;
	[sflag:s15] =	ssyncadd.s32 @!p1 $0xFFFFE000;
	s10 =	smov.u32 s16  }
.LBB1_1:
0x1e: {  	p1 =	sge.u32 s11, s5  }
0x1f: {  	s14 =	sand.u32 @!p1 $0x1FFFFFF, s9  }
0x20: {  	s15 =	smulhi.u32 @!p1 $0x147AE15, s14;
	_ =	sdelay $0x1  }
0x21: {  	s15 =	smul.u32 @!p1 $0xC8, s15  }
0x22: {  	s16 =	sxor.u32 @!p1 $0xFFFFFFFF, s11;
	s17 =	smul.u32 @!p1 $0xC80, s10  }
0x23: {  	s31 =	sadd.s32 $0xFFFFFFFF, s11;
	s16 =	sshll.u32 @!p1 s16, $0xD;
	s14 =	ssub.s32 @!p1 s14, s15  }
0x24: {  	s15 =	sand.u32 @!p1 $0x2000, s16;
	s16 =	sadd.s32 @!p1 s6, s17;
	s14 =	sshll.u32 @!p1 s14, $0x4  }
0x25: {  	s17 =	simm.s32 @!p1 $0x6400;
	s14 =	sadd.s32 @!p1 s14, s16;
	s16 =	simm.s32 @!p1 $0x40  }
0x26: {  	[tilespmem:s15], [sflag:$0x1] =	stream.strided.gather @!p1 [hbm4b:s14+s16], $0x2000, s17, s16, $0x38;
	[tilespmem:$0x8080] =	vst v63  }
0x27: {  	p1 =	sge.u32 s31, s5  }
.Ltmp2:
0x28: {  	_ = 	snop;
	(pc) =	sbr.rel @p1 .LBB1_5-.Ltmp2, $1  }
0x29: {  	_ =	sdelay $0x3  }
0x2a: {  	s14 =	simm.s32 $0x1  }
0x2b: {  	_ =	swait.ge [sflag:s4], $0x2000;
	s14 =	simm.s32 @!p0 $0x0  }
0x2c: {  	[sflag:s4] =	ssyncset.done $0x0;
	s15 =	sshll.u32 s14, $0xD  }
0x2d: {  	[sflag:s4] =	ssyncadd.s32 $0xFFFFE000;
	s18 =	sor.u32 $0x20, s15  }
0x2e: {  	s14 =	smul.u32 $0x8100, s14;
	v3 =	vld [tilespmem:s18+$0x10]  }
0x2f: {  	s30 =	sand.u32 $0x1, s11;
	v2 =	vld [tilespmem:s18+$0xFFFFFFF0]  }
0x30: {  	s15 =	smul.u32 $0x8100, s30;
	s14 =	sshrl.u32 s14, $0x2;
	v0 =	vld [tilespmem:s18+$0x0]  }
0x31: {  	v1 =	vld [tilespmem:s18+$0xFFFFFFE0];
	s16 =	sor.u32 $0x4000, s14  }
0x32: {  	s31 =	sshrl.u32 s15, $0x2;
	s15 =	sadd.s32 $0x0, s16  }
0x33: {  	s17 =	simm.s32 $0x4;
	s18 =	sadd.s32 $0x40, s18;
	s14 =	sor.u32 $0x4000, s31;
	[tilespmem:s15+$0x1830 ss:$0x81] =	vst.msk $0xffff, v3  }
.LBB1_3:
0x34: {  	v3 =	vld [tilespmem:s18+$0x10];
	p1 =	sne.s32 s17, $0x1FC;
	[tilespmem:s15+$0x810 ss:$0x81] =	vst.msk $0xffff, v2;
	s19 =	smov.u32 s17;
	s17 =	sadd.s32 $0x4, s17  }
.Ltmp3:
0x35: {  	v2 =	vld [tilespmem:s18+$0xFFFFFFF0];
	[tilespmem:s15+$0x1020 ss:$0x81] =	vst.msk $0xffff, v0;
	(pc) =	sbr.rel @p1 .LBB1_3-.Ltmp3, $4  }
0x36: {  	v0 =	vld [tilespmem:s18+$0x0];
	[tilespmem:s15+$0x0 ss:$0x81] =	vst.msk $0xffff, v1  }
0x37: {  	s15 =	sshra.s32 s19, $0x2;
	v1 =	vld [tilespmem:s18+$0xFFFFFFE0]  }
0x38: {  	s15 =	sadd.s32 s15, s16  }
0x39: {  	s18 =	sadd.s32 $0x40, s18;
	[tilespmem:s15+$0x1830 ss:$0x81] =	vst.msk $0xffff, v3  }
.Ltmp4:
0x3a: {  	_ = 	snop;
	(pc) =	sbr.rel .LBB1_4-.Ltmp4, $1  }
0x3b: {  	_ =	sdelay $0x3  }
.LBB1_6:
0x3c: {  	_ =	sfence.sel $0x180000  }
0x3d: {  	s2 =	simm.s32 $0x1;
	[bflag:$0x0] =	sbarrier.arrive $0xFFFF  }
0x3e: {  	s31 =	simm.s32 $0x2;
	[sflag:s2] =	ssyncpa.u1 $0x1  }
0x3f: {  	[sflag:s31] =	ssyncpa.u1 $0x1  }
0x40: {  	p0 =	sne.s32 s0, $0x0;
	_ =	strace $0x9000004A  }
0x41: {  	s0 =	sadd.s32 @!p0 $0x100000, s1;
	[bflag:$0x2] =	sbarrier.arrive $0xFFFF  }
0x42: {  	[sflag:s0] =	ssyncadd.tile.s32 @!p0 $0x1;
	_ =	shalt  }
.Lfunc_end1:
_tile_overlayer_lowered:
.L_overlay_start_2:
0x43: {  	(tag) =	ssettag $0x2  }
0x44: {  	s0 =	rddreg [dreg:$0x0];
	s2 =	stileid.u32  }
0x45: {  	s1 =	rddreg [dreg:$0x1];
	p0 =	sne.s32 s2, $0x0  }
0x46: {  	s3 =	rddreg [dreg:$0x2];
	[bflag:$0x3] =	sbarrier.arrive $0xFFFF;
	s2 =	simm.s32 @!p0 $0x1C01  }
0x47: {  	[timem:s3], [sflag:s2] =	dma.local @!p0 [hbm:s0], s1  }
0x48: {  	s0 =	simm.s32 @!p0 $0x1  }
0x49: {  	_ =	swait.ge @!p0 [sflag:s0], s1  }
0x4a: {  	s1 =	ssub.s32 @!p0 $0x0, s1;
	[sflag:s0] =	ssyncset.done @!p0 $0x0  }
0x4b: {  	[sflag:s0] =	ssyncadd.s32 @!p0 s1  }
0x4c: {  	[bflag:$0x3] =	sbarrier.arrive $0xFFFF  }
0x4d: {  	_ =	shalt  }

</sc_bundles>
